<compile_context>
chip_gen: v7x
topology: tpu7x:2x2x1
jax: 0.10.2.dev20260603
libtpu: 0.0.44.dev20260713+nightly
codegen_flags: <defaults>
</compile_context>

<pallas_src>
import functools

import jax
import jax.numpy as jnp
from jax import lax
from jax.experimental import pallas as pl
from jax.experimental.pallas import tpu as pltpu
from jax.experimental.pallas import tpu_sc as plsc

N_NODES = 10000
N_PAD = 10240
G_POOL = 64
NC = 2
NS = 16
NW = NC * NS
CH = 128
E_EDGES = 320000
CHUNKS_PER_W = 79
CHUNKS_TOT = NW * CHUNKS_PER_W
E_PAD = CHUNKS_TOT * CH
EW = CHUNKS_PER_W * CH
ROWS_PER_TILE = N_PAD // NS


def _make_count():
  mesh = plsc.VectorSubcoreMesh(core_axis_name="c", subcore_axis_name="s",
                                num_cores=NC, num_subcores=NS)
  out_type = jax.ShapeDtypeStruct((NW * N_PAD,), jnp.float32)
  scratch = [
      pltpu.VMEM((N_PAD,), jnp.float32),
      pltpu.VMEM((CH,), jnp.int32),
  ]

  def body(dst_hbm, cnt_out, cnt_vmem, dst_buf):
    cid = lax.axis_index("c")
    sid = lax.axis_index("s")
    wid = sid * NC + cid

    def zero(i, carry):
      cnt_vmem[pl.ds(i * 16, 16)] = jnp.zeros((16,), jnp.float32)
      return carry

    lax.fori_loop(0, N_PAD // 16, zero, 0)

    base = wid * EW
    ones16 = jnp.ones((16,), jnp.float32)

    def chunk(j, carry):
      pltpu.sync_copy(dst_hbm.at[pl.ds(base + j * CH, CH)], dst_buf)
      for k in range(CH // 16):
        idx = dst_buf[pl.ds(k * 16, 16)]
        plsc.addupdate_scatter(cnt_vmem, [idx], ones16)
      return carry

    lax.fori_loop(0, CHUNKS_PER_W, chunk, 0)
    pltpu.sync_copy(cnt_vmem, cnt_out.at[pl.ds(wid * N_PAD, N_PAD)])

  return pl.kernel(
      body, out_type=out_type, mesh=mesh, scratch_types=scratch,
      compiler_params=pltpu.CompilerParams(needs_layout_passes=False))


def _make_aggregate(D):
  mesh = plsc.VectorSubcoreMesh(core_axis_name="c", subcore_axis_name="s",
                                num_cores=NC, num_subcores=NS)
  out_type = jax.ShapeDtypeStruct((NC * N_PAD, D), jnp.float32)
  scratch = [
      pltpu.VMEM_SHARED((N_PAD, D), jnp.float32),
      pltpu.VMEM((CH,), jnp.int32),
      pltpu.VMEM((CH,), jnp.int32),
      pltpu.VMEM((CH, D), jnp.float32),
      pltpu.SemaphoreType.DMA,
  ]

  ZCH = ROWS_PER_TILE // CH

  def body(x_hbm, src_hbm, dst_hbm, zf_hbm, part_out, acc, src_buf,
           dst_buf, rows, sem):
    cid = lax.axis_index("c")
    sid = lax.axis_index("s")
    wid = sid * NC + cid
    r0 = sid * ROWS_PER_TILE
    base = wid * EW

    def zchunk(k, carry):
      rr = r0 + k * CH
      pltpu.sync_copy(zf_hbm.at[pl.ds(rr, CH)], rows)
      pltpu.sync_copy(rows, acc.at[pl.ds(rr, CH)])
      return carry

    lax.fori_loop(0, ZCH, zchunk, 0)
    plsc.subcore_barrier()

    def chunk(j, carry):
      off = base + j * CH
      pltpu.sync_copy(src_hbm.at[pl.ds(off, CH)], src_buf)
      pltpu.sync_copy(dst_hbm.at[pl.ds(off, CH)], dst_buf)
      pltpu.async_copy(x_hbm.at[src_buf], rows, sem).wait()
      pltpu.sync_copy(rows, acc.at[dst_buf], add=True)
      return carry

    lax.fori_loop(0, CHUNKS_PER_W, chunk, 0)
    plsc.subcore_barrier()

    def ochunk(k, carry):
      rr = r0 + k * CH
      pltpu.sync_copy(acc.at[pl.ds(rr, CH)], rows)
      pltpu.sync_copy(rows, part_out.at[pl.ds(cid * N_PAD + rr, CH)])
      return carry

    lax.fori_loop(0, ZCH, ochunk, 0)

  return pl.kernel(body, out_type=out_type, mesh=mesh, scratch_types=scratch)


def _dense_body(refs):
  part, cntp, x, wl, bl, wr, g, be, out = refs
  s = part[0] + part[1]
  cnt = jnp.sum(cntp[...], axis=0)[:, None]
  mean = s / jnp.maximum(cnt, 1.0)
  a = lax.dot_general(mean, wl[...], (((1,), (1,)), ((), ())),
                      preferred_element_type=jnp.float32)
  pre = a + bl[...][None, :] + lax.dot_general(
      x[...], wr[...], (((1,), (1,)), ((), ())),
      preferred_element_type=jnp.float32)

  mask = (lax.broadcasted_iota(jnp.int32, (N_PAD, 1), 0)
          < N_NODES).astype(jnp.float32)
  m = jnp.sum(pre * mask, axis=0, keepdims=True) / N_NODES
  d = pre - m
  var = jnp.sum((pre - m) * (pre - m) * mask, axis=0, keepdims=True) / N_NODES
  h = jnp.maximum(d / jnp.sqrt(var + 1e-5) * g[...][None, :]
                  + be[...][None, :], 0.0) * mask
  out[...] = h


def _make_dense(dout):
  outs = jax.ShapeDtypeStruct((N_PAD, dout), jnp.float32)

  def kern(*refs):
    _dense_body(refs)

  return pl.pallas_call(
      kern, out_shape=outs,
      compiler_params=pltpu.CompilerParams(vmem_limit_bytes=100 * 1024 * 1024))


def _pool_body(h3, batch, fc1w, fc1b, fc2w, fc2b, out):
  onehot = (batch[...][:, None]
            == lax.broadcasted_iota(jnp.int32, (1, G_POOL), 1)
            ).astype(jnp.float32)
  s = lax.dot_general(onehot, h3[...], (((0,), (0,)), ((), ())),
                      preferred_element_type=jnp.float32,
                      precision=lax.Precision.HIGHEST)
  c = jnp.sum(onehot, axis=0)[:, None]
  pooled = s / jnp.maximum(c, 1.0)
  z = jnp.maximum(
      lax.dot_general(pooled, fc1w[...], (((1,), (1,)), ((), ())),
                      preferred_element_type=jnp.float32)
      + fc1b[...][None, :], 0.0)
  out[...] = (lax.dot_general(z, fc2w[...], (((1,), (1,)), ((), ())),
                              preferred_element_type=jnp.float32)
              + fc2b[...][None, :])


_count = _make_count()
_agg128 = _make_aggregate(128)
_dense128 = _make_dense(128)
_dense64 = _make_dense(64)
_pool = pl.pallas_call(
    _pool_body, out_shape=jax.ShapeDtypeStruct((G_POOL, 2), jnp.float32))


@jax.jit
def kernel(x, edge_index, batch, Wl1, bl1, Wr1, g1, be1, Wl2, bl2, Wr2, g2,
           be2, Wl3, bl3, Wr3, g3, be3, fc1_w, fc1_b, fc2_w, fc2_b):
  src = jnp.concatenate(
      [edge_index[0], jnp.zeros((E_PAD - E_EDGES,), jnp.int32)])
  dst = jnp.concatenate(
      [edge_index[1], jnp.full((E_PAD - E_EDGES,), N_PAD - 1, jnp.int32)])
  pad_n = N_PAD - x.shape[0]
  x_p = jnp.pad(x, ((0, pad_n), (0, 0)))
  batch_p = jnp.pad(batch, (0, pad_n), constant_values=G_POOL)
  zeros128 = jnp.zeros((N_PAD, 128), jnp.float32)

  cnt = _count(dst).reshape(NW, N_PAD)
  part1 = _agg128(x_p, src, dst, zeros128).reshape(NC, N_PAD, 128)
  h1 = _dense128(part1, cnt, x_p, Wl1, bl1, Wr1, g1, be1)
  part2 = _agg128(h1, src, dst, zeros128).reshape(NC, N_PAD, 128)
  h2 = _dense128(part2, cnt, h1, Wl2, bl2, Wr2, g2, be2)
  part3 = _agg128(h2, src, dst, zeros128).reshape(NC, N_PAD, 128)
  h3 = _dense64(part3, cnt, h2, Wl3, bl3, Wr3, g3, be3)
  return _pool(h3, batch_p, fc1_w, fc1_b, fc2_w, fc2_b)

# --- scband reference (transcript-rebuilt; emitter-appended) ---
"""Pipeline reference for scband-graph-sagemodel-2843268350707 (READ-ONLY COPY).

The authoritative reference and input builder live on the scoring server;
editing this copy changes nothing except your own understanding.
"""

import jax, jax.numpy as jnp
import numpy as np

N = 10000
E = 320000
D = 128
H = 128
G = 64

def setup_inputs(seed: int = 0):
    key = jax.random.key(seed)
    ks = jax.random.split(key, 16)
    def lin(k, o, i):
        return (jax.random.normal(k, (o, i), dtype=jnp.float32) / np.sqrt(i)).astype(jnp.float32)
    inp = {}
    inp["x"] = jax.random.normal(ks[0], (N, D), dtype=jnp.float32)
    inp["edge_index"] = jax.random.randint(ks[1], (2, E), 0, N, dtype=jnp.int32)
    inp["batch"] = jnp.sort(jax.random.randint(ks[2], (N,), 0, G, dtype=jnp.int32))
    inp["Wl1"] = lin(ks[3], H, D); inp["bl1"] = jnp.zeros((H,), jnp.float32); inp["Wr1"] = lin(ks[4], H, D)
    inp["g1"] = jnp.ones((H,), jnp.float32); inp["be1"] = jnp.zeros((H,), jnp.float32)
    inp["Wl2"] = lin(ks[5], H, H); inp["bl2"] = jnp.zeros((H,), jnp.float32); inp["Wr2"] = lin(ks[6], H, H)
    inp["g2"] = jnp.ones((H,), jnp.float32); inp["be2"] = jnp.zeros((H,), jnp.float32)
    inp["Wl3"] = lin(ks[7], H // 2, H); inp["bl3"] = jnp.zeros((H // 2,), jnp.float32); inp["Wr3"] = lin(ks[8], H // 2, H)
    inp["g3"] = jnp.ones((H // 2,), jnp.float32); inp["be3"] = jnp.zeros((H // 2,), jnp.float32)
    inp["fc1_w"] = lin(ks[9], H // 4, H // 2); inp["fc1_b"] = jnp.zeros((H // 4,), jnp.float32)
    inp["fc2_w"] = lin(ks[10], 2, H // 4); inp["fc2_b"] = jnp.zeros((2,), jnp.float32)
    return inp

def _sage(x, src, dst, Wl, bl, Wr):
    msg = x[src]
    s = jax.ops.segment_sum(msg, dst, num_segments=N)
    cnt = jax.ops.segment_sum(jnp.ones((dst.shape[0],), jnp.float32), dst, num_segments=N)
    mean = s / jnp.maximum(cnt, 1.0)[:, None]
    return mean @ Wl.T + bl + x @ Wr.T

def _bn(x, g, b):
    m = jnp.mean(x, axis=0)
    v = jnp.var(x, axis=0)
    return (x - m) / jnp.sqrt(v + 1e-5) * g + b

def reference(x, edge_index, batch, Wl1, bl1, Wr1, g1, be1, Wl2, bl2, Wr2, g2, be2, Wl3, bl3, Wr3, g3, be3, fc1_w, fc1_b, fc2_w, fc2_b):
    src, dst = edge_index[0], edge_index[1]
    h = jax.nn.relu(_bn(_sage(x, src, dst, Wl1, bl1, Wr1), g1, be1))
    h = jax.nn.relu(_bn(_sage(h, src, dst, Wl2, bl2, Wr2), g2, be2))
    h = jax.nn.relu(_bn(_sage(h, src, dst, Wl3, bl3, Wr3), g3, be3))
    s = jax.ops.segment_sum(h, batch, num_segments=G)
    c = jax.ops.segment_sum(jnp.ones((N,), jnp.float32), batch, num_segments=G)
    pooled = s / jnp.maximum(c, 1.0)[:, None]
    h = jax.nn.relu(pooled @ fc1_w.T + fc1_b)
    return h @ fc2_w.T + fc2_b

if __name__ == "__main__":
    import jax
    _d = setup_inputs()
    print(jax.jit(kernel)(*tuple(_d.values())))

</pallas_src>

<mosaic_0001>
#map = affine_map<(d0, d1) -> (0)>
module attributes {stable_mosaic.version = 14 : i64} {
  func.func @body(%arg0: i32, %arg1: i32, %arg2: memref<323584xi32, #tpu.memory_space<hbm>>, %arg3: memref<327680xf32, #tpu.memory_space<hbm>>, %arg4: memref<10240xf32, #tpu.memory_space<vmem>>, %arg5: memref<128xi32, #tpu.memory_space<vmem>>) attributes {dimension_semantics = [#tpu.dimension_semantics<core_parallel>, #tpu.dimension_semantics<subcore_parallel>], iteration_bounds = array<i64: 2, 16>, scalar_prefetch = 0 : i64, scratch_operands = 2 : i64, tpu.core_type = #tpu.core_type<sc_vector_subcore>, window_params = [{transform_indices = #map}, {transform_indices = #map}]} {
    %mul3A = arith.constant 2 : i32
    %mul3A_0 = arith.muli %arg1, %mul3A : i32
    %add3A = arith.addi %mul3A_0, %arg0 : i32
    %scan3A = arith.constant 0 : i32
    %scan3A_1 = arith.constant 0 : i32
    %scan3A_2 = arith.constant 640 : i32
    %scan3A_3 = arith.addi %scan3A_1, %scan3A_2 : i32
    %scan3A_4 = arith.constant 1 : i32
    scf.for %scan3A_17 = %scan3A_1 to %scan3A_3 step %scan3A_4  : i32 {
      %broadcast_in_dim3A_18 = arith.constant 0.000000e+00 : f32
      %broadcast_in_dim3A_19 = vector.broadcast %broadcast_in_dim3A_18 : f32 to vector<16xf32>
      %mul3A_20 = arith.constant 16 : i32
      %mul3A_21 = arith.muli %scan3A_17, %mul3A_20 : i32
      %swap3A = arith.index_cast %mul3A_21 : i32 to index
      %swap3A_22 = tpu.vector_load %arg4[%swap3A] {strides = array<i32>} : memref<10240xf32, #tpu.memory_space<vmem>>, vector<16xf32>,
      tpu.vector_store %arg4[%swap3A], %broadcast_in_dim3A_19 {strides = array<i32>} : memref<10240xf32, #tpu.memory_space<vmem>>, vector<16xf32>,
    }
    %scan3A_5 = arith.constant 640 : i32
    %mul3A_6 = arith.constant 10112 : i32
    %mul3A_7 = arith.muli %add3A, %mul3A_6 : i32
    %broadcast_in_dim3A = arith.constant 1.000000e+00 : f32
    %broadcast_in_dim3A_8 = vector.broadcast %broadcast_in_dim3A : f32 to vector<16xf32>
    %scan3A_9 = arith.constant 0 : i32
    %scan3A_10 = arith.constant 0 : i32
    %scan3A_11 = arith.constant 79 : i32
    %scan3A_12 = arith.addi %scan3A_10, %scan3A_11 : i32
    %scan3A_13 = arith.constant 1 : i32
    scf.for %scan3A_17 = %scan3A_10 to %scan3A_12 step %scan3A_13  : i32 {
      %mul3A_18 = arith.constant 128 : i32
      %mul3A_19 = arith.muli %scan3A_17, %mul3A_18 : i32
      %add3A_20 = arith.addi %mul3A_7, %mul3A_19 : i32
      "tpu.region"() ({
        %run_scoped3A = tpu.sem_alloc : memref<!tpu.dma_semaphore, #tpu.memory_space<semaphore_mem>>
        %dma_start3A = tpu.memref_slice %arg2[%add3A_20] : memref<323584xi32, #tpu.memory_space<hbm>> -> memref<128xi32, #tpu.memory_space<hbm>>
        %dma_start3A_36 = tpu.memref_slice %arg2[%add3A_20] : memref<323584xi32, #tpu.memory_space<hbm>> -> memref<128xi32, #tpu.memory_space<hbm>>
        tpu.enqueue_dma source(%dma_start3A_36 : memref<128xi32, #tpu.memory_space<hbm>>) target(%arg5 : memref<128xi32, #tpu.memory_space<vmem>>) target_semaphore(%run_scoped3A : memref<!tpu.dma_semaphore, #tpu.memory_space<semaphore_mem>>)
        %dma_wait3A = tpu.memref_slice %arg2[%add3A_20] : memref<323584xi32, #tpu.memory_space<hbm>> -> memref<128xi32, #tpu.memory_space<hbm>>
        %dma_wait3A_37 = tpu.memref_slice %arg2[%add3A_20] : memref<323584xi32, #tpu.memory_space<hbm>> -> memref<128xi32, #tpu.memory_space<hbm>>
        tpu.wait_dma2 semaphore(%run_scoped3A : memref<!tpu.dma_semaphore, #tpu.memory_space<semaphore_mem>>) src(%dma_wait3A_37 : memref<128xi32, #tpu.memory_space<hbm>>) dst(%arg5 : memref<128xi32, #tpu.memory_space<vmem>>)
        tpu.yield
      }) : () -> ()
      %get3A = arith.constant 0 : index
      %get3A_21 = tpu.vector_load %arg5[%get3A] {strides = array<i32>} : memref<128xi32, #tpu.memory_space<vmem>>, vector<16xi32>,
      tpu.vector_store_idx %arg4[%get3A_21], %broadcast_in_dim3A_8 {add = true} : memref<10240xf32, #tpu.memory_space<vmem>>[vector<16xi32>], vector<16xf32>,
      %get3A_22 = arith.constant 16 : index
      %get3A_23 = tpu.vector_load %arg5[%get3A_22] {strides = array<i32>} : memref<128xi32, #tpu.memory_space<vmem>>, vector<16xi32>,
      tpu.vector_store_idx %arg4[%get3A_23], %broadcast_in_dim3A_8 {add = true} : memref<10240xf32, #tpu.memory_space<vmem>>[vector<16xi32>], vector<16xf32>,
      %get3A_24 = arith.constant 32 : index
      %get3A_25 = tpu.vector_load %arg5[%get3A_24] {strides = array<i32>} : memref<128xi32, #tpu.memory_space<vmem>>, vector<16xi32>,
      tpu.vector_store_idx %arg4[%get3A_25], %broadcast_in_dim3A_8 {add = true} : memref<10240xf32, #tpu.memory_space<vmem>>[vector<16xi32>], vector<16xf32>,
      %get3A_26 = arith.constant 48 : index
      %get3A_27 = tpu.vector_load %arg5[%get3A_26] {strides = array<i32>} : memref<128xi32, #tpu.memory_space<vmem>>, vector<16xi32>,
      tpu.vector_store_idx %arg4[%get3A_27], %broadcast_in_dim3A_8 {add = true} : memref<10240xf32, #tpu.memory_space<vmem>>[vector<16xi32>], vector<16xf32>,
      %get3A_28 = arith.constant 64 : index
      %get3A_29 = tpu.vector_load %arg5[%get3A_28] {strides = array<i32>} : memref<128xi32, #tpu.memory_space<vmem>>, vector<16xi32>,
      tpu.vector_store_idx %arg4[%get3A_29], %broadcast_in_dim3A_8 {add = true} : memref<10240xf32, #tpu.memory_space<vmem>>[vector<16xi32>], vector<16xf32>,
      %get3A_30 = arith.constant 80 : index
      %get3A_31 = tpu.vector_load %arg5[%get3A_30] {strides = array<i32>} : memref<128xi32, #tpu.memory_space<vmem>>, vector<16xi32>,
      tpu.vector_store_idx %arg4[%get3A_31], %broadcast_in_dim3A_8 {add = true} : memref<10240xf32, #tpu.memory_space<vmem>>[vector<16xi32>], vector<16xf32>,
      %get3A_32 = arith.constant 96 : index
      %get3A_33 = tpu.vector_load %arg5[%get3A_32] {strides = array<i32>} : memref<128xi32, #tpu.memory_space<vmem>>, vector<16xi32>,
      tpu.vector_store_idx %arg4[%get3A_33], %broadcast_in_dim3A_8 {add = true} : memref<10240xf32, #tpu.memory_space<vmem>>[vector<16xi32>], vector<16xf32>,
      %get3A_34 = arith.constant 112 : index
      %get3A_35 = tpu.vector_load %arg5[%get3A_34] {strides = array<i32>} : memref<128xi32, #tpu.memory_space<vmem>>, vector<16xi32>,
      tpu.vector_store_idx %arg4[%get3A_35], %broadcast_in_dim3A_8 {add = true} : memref<10240xf32, #tpu.memory_space<vmem>>[vector<16xi32>], vector<16xf32>,
    }
    %scan3A_14 = arith.constant 79 : i32
    %mul3A_15 = arith.constant 10240 : i32
    %mul3A_16 = arith.muli %add3A, %mul3A_15 : i32
    "tpu.region"() ({
      %run_scoped3A = tpu.sem_alloc : memref<!tpu.dma_semaphore, #tpu.memory_space<semaphore_mem>>
      %dma_start3A = tpu.memref_slice %arg3[%mul3A_16] : memref<327680xf32, #tpu.memory_space<hbm>> -> memref<10240xf32, #tpu.memory_space<hbm>>
      %dma_start3A_17 = tpu.memref_slice %arg3[%mul3A_16] : memref<327680xf32, #tpu.memory_space<hbm>> -> memref<10240xf32, #tpu.memory_space<hbm>>
      tpu.enqueue_dma source(%arg4 : memref<10240xf32, #tpu.memory_space<vmem>>) target(%dma_start3A_17 : memref<10240xf32, #tpu.memory_space<hbm>>) target_semaphore(%run_scoped3A : memref<!tpu.dma_semaphore, #tpu.memory_space<semaphore_mem>>)
      %dma_wait3A = tpu.memref_slice %arg3[%mul3A_16] : memref<327680xf32, #tpu.memory_space<hbm>> -> memref<10240xf32, #tpu.memory_space<hbm>>
      %dma_wait3A_18 = tpu.memref_slice %arg3[%mul3A_16] : memref<327680xf32, #tpu.memory_space<hbm>> -> memref<10240xf32, #tpu.memory_space<hbm>>
      tpu.wait_dma2 semaphore(%run_scoped3A : memref<!tpu.dma_semaphore, #tpu.memory_space<semaphore_mem>>) src(%arg4 : memref<10240xf32, #tpu.memory_space<vmem>>) dst(%dma_wait3A_18 : memref<10240xf32, #tpu.memory_space<hbm>>)
      tpu.yield
    }) : () -> ()
    return
  }
}

#map = affine_map<(d0, d1) -> (0, 0)>
#map1 = affine_map<(d0, d1) -> (0)>
module attributes {stable_mosaic.version = 14 : i64} {
  func.func @body(%arg0: i32, %arg1: i32, %arg2: memref<10240x128xf32, #tpu.memory_space<hbm>>, %arg3: memref<323584xi32, #tpu.memory_space<hbm>>, %arg4: memref<323584xi32, #tpu.memory_space<hbm>>, %arg5: memref<10240x128xf32, #tpu.memory_space<hbm>>, %arg6: memref<20480x128xf32, #tpu.memory_space<hbm>>, %arg7: memref<10240x128xf32, #tpu.memory_space<vmem_shared>>, %arg8: memref<128xi32, #tpu.memory_space<vmem>>, %arg9: memref<128xi32, #tpu.memory_space<vmem>>, %arg10: memref<128x128xf32, #tpu.memory_space<vmem>>, %arg11: memref<!tpu.dma_semaphore, #tpu.memory_space<semaphore_mem>>) attributes {dimension_semantics = [#tpu.dimension_semantics<core_parallel>, #tpu.dimension_semantics<subcore_parallel>], iteration_bounds = array<i64: 2, 16>, scalar_prefetch = 0 : i64, scratch_operands = 5 : i64, tpu.core_type = #tpu.core_type<sc_vector_subcore>, window_params = [{transform_indices = #map}, {transform_indices = #map1}, {transform_indices = #map1}, {transform_indices = #map}, {transform_indices = #map}]} {
    %mul3A = arith.constant 2 : i32
    %mul3A_0 = arith.muli %arg1, %mul3A : i32
    %add3A = arith.addi %mul3A_0, %arg0 : i32
    %mul3A_1 = arith.constant 640 : i32
    %mul3A_2 = arith.muli %arg1, %mul3A_1 : i32
    %mul3A_3 = arith.constant 10112 : i32
    %mul3A_4 = arith.muli %add3A, %mul3A_3 : i32
    %scan3A = arith.constant 0 : i32
    %scan3A_5 = arith.constant 0 : i32
    %scan3A_6 = arith.constant 5 : i32
    %scan3A_7 = arith.addi %scan3A_5, %scan3A_6 : i32
    %scan3A_8 = arith.constant 1 : i32
    scf.for %scan3A_23 = %scan3A_5 to %scan3A_7 step %scan3A_8  : i32 {
      %mul3A_24 = arith.constant 128 : i32
      %mul3A_25 = arith.muli %scan3A_23, %mul3A_24 : i32
      %add3A_26 = arith.addi %mul3A_2, %mul3A_25 : i32
      "tpu.region"() ({
        %run_scoped3A = tpu.sem_alloc : memref<!tpu.dma_semaphore, #tpu.memory_space<semaphore_mem>>
        %dma_start3A = arith.constant 0 : i32
        %dma_start3A_27 = tpu.memref_slice %arg5[%add3A_26, %dma_start3A] : memref<10240x128xf32, #tpu.memory_space<hbm>> -> memref<128x128xf32, #tpu.memory_space<hbm>>
        %dma_start3A_28 = arith.constant 0 : i32
        %dma_start3A_29 = tpu.memref_slice %arg5[%add3A_26, %dma_start3A_28] : memref<10240x128xf32, #tpu.memory_space<hbm>> -> memref<128x128xf32, #tpu.memory_space<hbm>>
        tpu.enqueue_dma source(%dma_start3A_29 : memref<128x128xf32, #tpu.memory_space<hbm>>) target(%arg10 : memref<128x128xf32, #tpu.memory_space<vmem>>) target_semaphore(%run_scoped3A : memref<!tpu.dma_semaphore, #tpu.memory_space<semaphore_mem>>)
        %dma_wait3A = arith.constant 0 : i32
        %dma_wait3A_30 = tpu.memref_slice %arg5[%add3A_26, %dma_wait3A] : memref<10240x128xf32, #tpu.memory_space<hbm>> -> memref<128x128xf32, #tpu.memory_space<hbm>>
        %dma_wait3A_31 = arith.constant 0 : i32
        %dma_wait3A_32 = tpu.memref_slice %arg5[%add3A_26, %dma_wait3A_31] : memref<10240x128xf32, #tpu.memory_space<hbm>> -> memref<128x128xf32, #tpu.memory_space<hbm>>
        tpu.wait_dma2 semaphore(%run_scoped3A : memref<!tpu.dma_semaphore, #tpu.memory_space<semaphore_mem>>) src(%dma_wait3A_32 : memref<128x128xf32, #tpu.memory_space<hbm>>) dst(%arg10 : memref<128x128xf32, #tpu.memory_space<vmem>>)
        tpu.yield
      }) : () -> ()
      "tpu.region"() ({
        %run_scoped3A = tpu.sem_alloc : memref<!tpu.dma_semaphore, #tpu.memory_space<semaphore_mem>>
        %dma_start3A = arith.constant 0 : i32
        %dma_start3A_27 = tpu.memref_slice %arg7[%add3A_26, %dma_start3A] : memref<10240x128xf32, #tpu.memory_space<vmem_shared>> -> memref<128x128xf32, #tpu.memory_space<vmem_shared>>
        %dma_start3A_28 = arith.constant 0 : i32
        %dma_start3A_29 = tpu.memref_slice %arg7[%add3A_26, %dma_start3A_28] : memref<10240x128xf32, #tpu.memory_space<vmem_shared>> -> memref<128x128xf32, #tpu.memory_space<vmem_shared>>
        tpu.enqueue_dma source(%arg10 : memref<128x128xf32, #tpu.memory_space<vmem>>) target(%dma_start3A_29 : memref<128x128xf32, #tpu.memory_space<vmem_shared>>) target_semaphore(%run_scoped3A : memref<!tpu.dma_semaphore, #tpu.memory_space<semaphore_mem>>)
        %dma_wait3A = arith.constant 0 : i32
        %dma_wait3A_30 = tpu.memref_slice %arg7[%add3A_26, %dma_wait3A] : memref<10240x128xf32, #tpu.memory_space<vmem_shared>> -> memref<128x128xf32, #tpu.memory_space<vmem_shared>>
        %dma_wait3A_31 = arith.constant 0 : i32
        %dma_wait3A_32 = tpu.memref_slice %arg7[%add3A_26, %dma_wait3A_31] : memref<10240x128xf32, #tpu.memory_space<vmem_shared>> -> memref<128x128xf32, #tpu.memory_space<vmem_shared>>
        tpu.wait_dma2 semaphore(%run_scoped3A : memref<!tpu.dma_semaphore, #tpu.memory_space<semaphore_mem>>) src(%arg10 : memref<128x128xf32, #tpu.memory_space<vmem>>) dst(%dma_wait3A_32 : memref<128x128xf32, #tpu.memory_space<vmem_shared>>)
        tpu.yield
      }) : () -> ()
    }
    %scan3A_9 = arith.constant 5 : i32
    %barrier3A = arith.constant 0 : index
    tpu.barrier barrier_id(%barrier3A)
    %scan3A_10 = arith.constant 0 : i32
    %scan3A_11 = arith.constant 0 : i32
    %scan3A_12 = arith.constant 79 : i32
    %scan3A_13 = arith.addi %scan3A_11, %scan3A_12 : i32
    %scan3A_14 = arith.constant 1 : i32
    scf.for %scan3A_23 = %scan3A_11 to %scan3A_13 step %scan3A_14  : i32 {
      %mul3A_24 = arith.constant 128 : i32
      %mul3A_25 = arith.muli %scan3A_23, %mul3A_24 : i32
      %add3A_26 = arith.addi %mul3A_4, %mul3A_25 : i32
      "tpu.region"() ({
        %run_scoped3A = tpu.sem_alloc : memref<!tpu.dma_semaphore, #tpu.memory_space<semaphore_mem>>
        %dma_start3A_31 = tpu.memref_slice %arg3[%add3A_26] : memref<323584xi32, #tpu.memory_space<hbm>> -> memref<128xi32, #tpu.memory_space<hbm>>
        %dma_start3A_32 = tpu.memref_slice %arg3[%add3A_26] : memref<323584xi32, #tpu.memory_space<hbm>> -> memref<128xi32, #tpu.memory_space<hbm>>
        tpu.enqueue_dma source(%dma_start3A_32 : memref<128xi32, #tpu.memory_space<hbm>>) target(%arg8 : memref<128xi32, #tpu.memory_space<vmem>>) target_semaphore(%run_scoped3A : memref<!tpu.dma_semaphore, #tpu.memory_space<semaphore_mem>>)
        %dma_wait3A_33 = tpu.memref_slice %arg3[%add3A_26] : memref<323584xi32, #tpu.memory_space<hbm>> -> memref<128xi32, #tpu.memory_space<hbm>>
        %dma_wait3A_34 = tpu.memref_slice %arg3[%add3A_26] : memref<323584xi32, #tpu.memory_space<hbm>> -> memref<128xi32, #tpu.memory_space<hbm>>
        tpu.wait_dma2 semaphore(%run_scoped3A : memref<!tpu.dma_semaphore, #tpu.memory_space<semaphore_mem>>) src(%dma_wait3A_34 : memref<128xi32, #tpu.memory_space<hbm>>) dst(%arg8 : memref<128xi32, #tpu.memory_space<vmem>>)
        tpu.yield
      }) : () -> ()
      "tpu.region"() ({
        %run_scoped3A = tpu.sem_alloc : memref<!tpu.dma_semaphore, #tpu.memory_space<semaphore_mem>>
        %dma_start3A_31 = tpu.memref_slice %arg4[%add3A_26] : memref<323584xi32, #tpu.memory_space<hbm>> -> memref<128xi32, #tpu.memory_space<hbm>>
        %dma_start3A_32 = tpu.memref_slice %arg4[%add3A_26] : memref<323584xi32, #tpu.memory_space<hbm>> -> memref<128xi32, #tpu.memory_space<hbm>>
        tpu.enqueue_dma source(%dma_start3A_32 : memref<128xi32, #tpu.memory_space<hbm>>) target(%arg9 : memref<128xi32, #tpu.memory_space<vmem>>) target_semaphore(%run_scoped3A : memref<!tpu.dma_semaphore, #tpu.memory_space<semaphore_mem>>)
        %dma_wait3A_33 = tpu.memref_slice %arg4[%add3A_26] : memref<323584xi32, #tpu.memory_space<hbm>> -> memref<128xi32, #tpu.memory_space<hbm>>
        %dma_wait3A_34 = tpu.memref_slice %arg4[%add3A_26] : memref<323584xi32, #tpu.memory_space<hbm>> -> memref<128xi32, #tpu.memory_space<hbm>>
        tpu.wait_dma2 semaphore(%run_scoped3A : memref<!tpu.dma_semaphore, #tpu.memory_space<semaphore_mem>>) src(%dma_wait3A_34 : memref<128xi32, #tpu.memory_space<hbm>>) dst(%arg9 : memref<128xi32, #tpu.memory_space<vmem>>)
        tpu.yield
      }) : () -> ()
      %dma_start3A = arith.constant 0 : i32
      %dma_start3A_27 = arith.constant 0 : i32
      %dma_start3A_28 = tpu.memref_slice %arg2[%dma_start3A, %dma_start3A_27] : memref<10240x128xf32, #tpu.memory_space<hbm>> -> memref<10240x128xf32, #tpu.memory_space<hbm>>
      tpu.enqueue_indirect_dma source(%dma_start3A_28 : memref<10240x128xf32, #tpu.memory_space<hbm>>) target(%arg10 : memref<128x128xf32, #tpu.memory_space<vmem>>) offsets(%arg8 : memref<128xi32, #tpu.memory_space<vmem>>) semaphore(%arg11 : memref<!tpu.dma_semaphore, #tpu.memory_space<semaphore_mem>>)
      %dma_wait3A = arith.constant 0 : i32
      %dma_wait3A_29 = arith.constant 0 : i32
      %dma_wait3A_30 = tpu.memref_slice %arg2[%dma_wait3A, %dma_wait3A_29] : memref<10240x128xf32, #tpu.memory_space<hbm>> -> memref<10240x128xf32, #tpu.memory_space<hbm>>
      tpu.wait_indirect_dma semaphore(%arg11 : memref<!tpu.dma_semaphore, #tpu.memory_space<semaphore_mem>>) src(%dma_wait3A_30 : memref<10240x128xf32, #tpu.memory_space<hbm>>) dst(%arg10 : memref<128x128xf32, #tpu.memory_space<vmem>>)
      "tpu.region"() ({
        %run_scoped3A = tpu.sem_alloc : memref<!tpu.dma_semaphore, #tpu.memory_space<semaphore_mem>>
        %dma_start3A_31 = arith.constant 0 : i32
        %dma_start3A_32 = arith.constant 0 : i32
        %dma_start3A_33 = tpu.memref_slice %arg7[%dma_start3A_31, %dma_start3A_32] : memref<10240x128xf32, #tpu.memory_space<vmem_shared>> -> memref<10240x128xf32, #tpu.memory_space<vmem_shared>>
        tpu.enqueue_indirect_dma source(%arg10 : memref<128x128xf32, #tpu.memory_space<vmem>>) target(%dma_start3A_33 : memref<10240x128xf32, #tpu.memory_space<vmem_shared>>) offsets(%arg9 : memref<128xi32, #tpu.memory_space<vmem>>) semaphore(%run_scoped3A : memref<!tpu.dma_semaphore, #tpu.memory_space<semaphore_mem>>) {add = true}
        %dma_wait3A_34 = arith.constant 0 : i32
        %dma_wait3A_35 = arith.constant 0 : i32
        %dma_wait3A_36 = tpu.memref_slice %arg7[%dma_wait3A_34, %dma_wait3A_35] : memref<10240x128xf32, #tpu.memory_space<vmem_shared>> -> memref<10240x128xf32, #tpu.memory_space<vmem_shared>>
        tpu.wait_indirect_dma semaphore(%run_scoped3A : memref<!tpu.dma_semaphore, #tpu.memory_space<semaphore_mem>>) src(%arg10 : memref<128x128xf32, #tpu.memory_space<vmem>>) dst(%dma_wait3A_36 : memref<10240x128xf32, #tpu.memory_space<vmem_shared>>)
        tpu.yield
      }) : () -> ()
    }
    %scan3A_15 = arith.constant 79 : i32
    %barrier3A_16 = arith.constant 0 : index
    tpu.barrier barrier_id(%barrier3A_16)
    %scan3A_17 = arith.constant 0 : i32
    %scan3A_18 = arith.constant 0 : i32
    %scan3A_19 = arith.constant 5 : i32
    %scan3A_20 = arith.addi %scan3A_18, %scan3A_19 : i32
    %scan3A_21 = arith.constant 1 : i32
    scf.for %scan3A_23 = %scan3A_18 to %scan3A_20 step %scan3A_21  : i32 {
      %mul3A_24 = arith.constant 128 : i32
      %mul3A_25 = arith.muli %scan3A_23, %mul3A_24 : i32
      %add3A_26 = arith.addi %mul3A_2, %mul3A_25 : i32
      "tpu.region"() ({
        %run_scoped3A = tpu.sem_alloc : memref<!tpu.dma_semaphore, #tpu.memory_space<semaphore_mem>>
        %dma_start3A = arith.constant 0 : i32
        %dma_start3A_30 = tpu.memref_slice %arg7[%add3A_26, %dma_start3A] : memref<10240x128xf32, #tpu.memory_space<vmem_shared>> -> memref<128x128xf32, #tpu.memory_space<vmem_shared>>
        %dma_start3A_31 = arith.constant 0 : i32
        %dma_start3A_32 = tpu.memref_slice %arg7[%add3A_26, %dma_start3A_31] : memref<10240x128xf32, #tpu.memory_space<vmem_shared>> -> memref<128x128xf32, #tpu.memory_space<vmem_shared>>
        tpu.enqueue_dma source(%dma_start3A_32 : memref<128x128xf32, #tpu.memory_space<vmem_shared>>) target(%arg10 : memref<128x128xf32, #tpu.memory_space<vmem>>) target_semaphore(%run_scoped3A : memref<!tpu.dma_semaphore, #tpu.memory_space<semaphore_mem>>)
        %dma_wait3A = arith.constant 0 : i32
        %dma_wait3A_33 = tpu.memref_slice %arg7[%add3A_26, %dma_wait3A] : memref<10240x128xf32, #tpu.memory_space<vmem_shared>> -> memref<128x128xf32, #tpu.memory_space<vmem_shared>>
        %dma_wait3A_34 = arith.constant 0 : i32
        %dma_wait3A_35 = tpu.memref_slice %arg7[%add3A_26, %dma_wait3A_34] : memref<10240x128xf32, #tpu.memory_space<vmem_shared>> -> memref<128x128xf32, #tpu.memory_space<vmem_shared>>
        tpu.wait_dma2 semaphore(%run_scoped3A : memref<!tpu.dma_semaphore, #tpu.memory_space<semaphore_mem>>) src(%dma_wait3A_35 : memref<128x128xf32, #tpu.memory_space<vmem_shared>>) dst(%arg10 : memref<128x128xf32, #tpu.memory_space<vmem>>)
        tpu.yield
      }) : () -> ()
      %mul3A_27 = arith.constant 10240 : i32
      %mul3A_28 = arith.muli %arg0, %mul3A_27 : i32
      %add3A_29 = arith.addi %mul3A_28, %add3A_26 : i32
      "tpu.region"() ({
        %run_scoped3A = tpu.sem_alloc : memref<!tpu.dma_semaphore, #tpu.memory_space<semaphore_mem>>
        %dma_start3A = arith.constant 0 : i32
        %dma_start3A_30 = tpu.memref_slice %arg6[%add3A_29, %dma_start3A] : memref<20480x128xf32, #tpu.memory_space<hbm>> -> memref<128x128xf32, #tpu.memory_space<hbm>>
        %dma_start3A_31 = arith.constant 0 : i32
        %dma_start3A_32 = tpu.memref_slice %arg6[%add3A_29, %dma_start3A_31] : memref<20480x128xf32, #tpu.memory_space<hbm>> -> memref<128x128xf32, #tpu.memory_space<hbm>>
        tpu.enqueue_dma source(%arg10 : memref<128x128xf32, #tpu.memory_space<vmem>>) target(%dma_start3A_32 : memref<128x128xf32, #tpu.memory_space<hbm>>) target_semaphore(%run_scoped3A : memref<!tpu.dma_semaphore, #tpu.memory_space<semaphore_mem>>)
        %dma_wait3A = arith.constant 0 : i32
        %dma_wait3A_33 = tpu.memref_slice %arg6[%add3A_29, %dma_wait3A] : memref<20480x128xf32, #tpu.memory_space<hbm>> -> memref<128x128xf32, #tpu.memory_space<hbm>>
        %dma_wait3A_34 = arith.constant 0 : i32
        %dma_wait3A_35 = tpu.memref_slice %arg6[%add3A_29, %dma_wait3A_34] : memref<20480x128xf32, #tpu.memory_space<hbm>> -> memref<128x128xf32, #tpu.memory_space<hbm>>
        tpu.wait_dma2 semaphore(%run_scoped3A : memref<!tpu.dma_semaphore, #tpu.memory_space<semaphore_mem>>) src(%arg10 : memref<128x128xf32, #tpu.memory_space<vmem>>) dst(%dma_wait3A_35 : memref<128x128xf32, #tpu.memory_space<hbm>>)
        tpu.yield
      }) : () -> ()
    }
    %scan3A_22 = arith.constant 5 : i32
    return
  }
}

#map = affine_map<(d0, d1) -> (0, 0)>
#map1 = affine_map<(d0, d1) -> (0)>
module attributes {stable_mosaic.version = 14 : i64} {
  func.func @body(%arg0: i32, %arg1: i32, %arg2: memref<10240x128xf32, #tpu.memory_space<hbm>>, %arg3: memref<323584xi32, #tpu.memory_space<hbm>>, %arg4: memref<323584xi32, #tpu.memory_space<hbm>>, %arg5: memref<10240x128xf32, #tpu.memory_space<hbm>>, %arg6: memref<20480x128xf32, #tpu.memory_space<hbm>>, %arg7: memref<10240x128xf32, #tpu.memory_space<vmem_shared>>, %arg8: memref<128xi32, #tpu.memory_space<vmem>>, %arg9: memref<128xi32, #tpu.memory_space<vmem>>, %arg10: memref<128x128xf32, #tpu.memory_space<vmem>>, %arg11: memref<!tpu.dma_semaphore, #tpu.memory_space<semaphore_mem>>) attributes {dimension_semantics = [#tpu.dimension_semantics<core_parallel>, #tpu.dimension_semantics<subcore_parallel>], iteration_bounds = array<i64: 2, 16>, scalar_prefetch = 0 : i64, scratch_operands = 5 : i64, tpu.core_type = #tpu.core_type<sc_vector_subcore>, window_params = [{transform_indices = #map}, {transform_indices = #map1}, {transform_indices = #map1}, {transform_indices = #map}, {transform_indices = #map}]} {
    %mul3A = arith.constant 2 : i32
    %mul3A_0 = arith.muli %arg1, %mul3A : i32
    %add3A = arith.addi %mul3A_0, %arg0 : i32
    %mul3A_1 = arith.constant 640 : i32
    %mul3A_2 = arith.muli %arg1, %mul3A_1 : i32
    %mul3A_3 = arith.constant 10112 : i32
    %mul3A_4 = arith.muli %add3A, %mul3A_3 : i32
    %scan3A = arith.constant 0 : i32
    %scan3A_5 = arith.constant 0 : i32
    %scan3A_6 = arith.constant 5 : i32
    %scan3A_7 = arith.addi %scan3A_5, %scan3A_6 : i32
    %scan3A_8 = arith.constant 1 : i32
    scf.for %scan3A_23 = %scan3A_5 to %scan3A_7 step %scan3A_8  : i32 {
      %mul3A_24 = arith.constant 128 : i32
      %mul3A_25 = arith.muli %scan3A_23, %mul3A_24 : i32
      %add3A_26 = arith.addi %mul3A_2, %mul3A_25 : i32
      "tpu.region"() ({
        %run_scoped3A = tpu.sem_alloc : memref<!tpu.dma_semaphore, #tpu.memory_space<semaphore_mem>>
        %dma_start3A = arith.constant 0 : i32
        %dma_start3A_27 = tpu.memref_slice %arg5[%add3A_26, %dma_start3A] : memref<10240x128xf32, #tpu.memory_space<hbm>> -> memref<128x128xf32, #tpu.memory_space<hbm>>
        %dma_start3A_28 = arith.constant 0 : i32
        %dma_start3A_29 = tpu.memref_slice %arg5[%add3A_26, %dma_start3A_28] : memref<10240x128xf32, #tpu.memory_space<hbm>> -> memref<128x128xf32, #tpu.memory_space<hbm>>
        tpu.enqueue_dma source(%dma_start3A_29 : memref<128x128xf32, #tpu.memory_space<hbm>>) target(%arg10 : memref<128x128xf32, #tpu.memory_space<vmem>>) target_semaphore(%run_scoped3A : memref<!tpu.dma_semaphore, #tpu.memory_space<semaphore_mem>>)
        %dma_wait3A = arith.constant 0 : i32
        %dma_wait3A_30 = tpu.memref_slice %arg5[%add3A_26, %dma_wait3A] : memref<10240x128xf32, #tpu.memory_space<hbm>> -> memref<128x128xf32, #tpu.memory_space<hbm>>
        %dma_wait3A_31 = arith.constant 0 : i32
        %dma_wait3A_32 = tpu.memref_slice %arg5[%add3A_26, %dma_wait3A_31] : memref<10240x128xf32, #tpu.memory_space<hbm>> -> memref<128x128xf32, #tpu.memory_space<hbm>>
        tpu.wait_dma2 semaphore(%run_scoped3A : memref<!tpu.dma_semaphore, #tpu.memory_space<semaphore_mem>>) src(%dma_wait3A_32 : memref<128x128xf32, #tpu.memory_space<hbm>>) dst(%arg10 : memref<128x128xf32, #tpu.memory_space<vmem>>)
        tpu.yield
      }) : () -> ()
      "tpu.region"() ({
        %run_scoped3A = tpu.sem_alloc : memref<!tpu.dma_semaphore, #tpu.memory_space<semaphore_mem>>
        %dma_start3A = arith.constant 0 : i32
        %dma_start3A_27 = tpu.memref_slice %arg7[%add3A_26, %dma_start3A] : memref<10240x128xf32, #tpu.memory_space<vmem_shared>> -> memref<128x128xf32, #tpu.memory_space<vmem_shared>>
        %dma_start3A_28 = arith.constant 0 : i32
        %dma_start3A_29 = tpu.memref_slice %arg7[%add3A_26, %dma_start3A_28] : memref<10240x128xf32, #tpu.memory_space<vmem_shared>> -> memref<128x128xf32, #tpu.memory_space<vmem_shared>>
        tpu.enqueue_dma source(%arg10 : memref<128x128xf32, #tpu.memory_space<vmem>>) target(%dma_start3A_29 : memref<128x128xf32, #tpu.memory_space<vmem_shared>>) target_semaphore(%run_scoped3A : memref<!tpu.dma_semaphore, #tpu.memory_space<semaphore_mem>>)
        %dma_wait3A = arith.constant 0 : i32
        %dma_wait3A_30 = tpu.memref_slice %arg7[%add3A_26, %dma_wait3A] : memref<10240x128xf32, #tpu.memory_space<vmem_shared>> -> memref<128x128xf32, #tpu.memory_space<vmem_shared>>
        %dma_wait3A_31 = arith.constant 0 : i32
        %dma_wait3A_32 = tpu.memref_slice %arg7[%add3A_26, %dma_wait3A_31] : memref<10240x128xf32, #tpu.memory_space<vmem_shared>> -> memref<128x128xf32, #tpu.memory_space<vmem_shared>>
        tpu.wait_dma2 semaphore(%run_scoped3A : memref<!tpu.dma_semaphore, #tpu.memory_space<semaphore_mem>>) src(%arg10 : memref<128x128xf32, #tpu.memory_space<vmem>>) dst(%dma_wait3A_32 : memref<128x128xf32, #tpu.memory_space<vmem_shared>>)
        tpu.yield
      }) : () -> ()
    }
    %scan3A_9 = arith.constant 5 : i32
    %barrier3A = arith.constant 0 : index
    tpu.barrier barrier_id(%barrier3A)
    %scan3A_10 = arith.constant 0 : i32
    %scan3A_11 = arith.constant 0 : i32
    %scan3A_12 = arith.constant 79 : i32
    %scan3A_13 = arith.addi %scan3A_11, %scan3A_12 : i32
    %scan3A_14 = arith.constant 1 : i32
    scf.for %scan3A_23 = %scan3A_11 to %scan3A_13 step %scan3A_14  : i32 {
      %mul3A_24 = arith.constant 128 : i32
      %mul3A_25 = arith.muli %scan3A_23, %mul3A_24 : i32
      %add3A_26 = arith.addi %mul3A_4, %mul3A_25 : i32
      "tpu.region"() ({
        %run_scoped3A = tpu.sem_alloc : memref<!tpu.dma_semaphore, #tpu.memory_space<semaphore_mem>>
        %dma_start3A_31 = tpu.memref_slice %arg3[%add3A_26] : memref<323584xi32, #tpu.memory_space<hbm>> -> memref<128xi32, #tpu.memory_space<hbm>>
        %dma_start3A_32 = tpu.memref_slice %arg3[%add3A_26] : memref<323584xi32, #tpu.memory_space<hbm>> -> memref<128xi32, #tpu.memory_space<hbm>>
        tpu.enqueue_dma source(%dma_start3A_32 : memref<128xi32, #tpu.memory_space<hbm>>) target(%arg8 : memref<128xi32, #tpu.memory_space<vmem>>) target_semaphore(%run_scoped3A : memref<!tpu.dma_semaphore, #tpu.memory_space<semaphore_mem>>)
        %dma_wait3A_33 = tpu.memref_slice %arg3[%add3A_26] : memref<323584xi32, #tpu.memory_space<hbm>> -> memref<128xi32, #tpu.memory_space<hbm>>
        %dma_wait3A_34 = tpu.memref_slice %arg3[%add3A_26] : memref<323584xi32, #tpu.memory_space<hbm>> -> memref<128xi32, #tpu.memory_space<hbm>>
        tpu.wait_dma2 semaphore(%run_scoped3A : memref<!tpu.dma_semaphore, #tpu.memory_space<semaphore_mem>>) src(%dma_wait3A_34 : memref<128xi32, #tpu.memory_space<hbm>>) dst(%arg8 : memref<128xi32, #tpu.memory_space<vmem>>)
        tpu.yield
      }) : () -> ()
      "tpu.region"() ({
        %run_scoped3A = tpu.sem_alloc : memref<!tpu.dma_semaphore, #tpu.memory_space<semaphore_mem>>
        %dma_start3A_31 = tpu.memref_slice %arg4[%add3A_26] : memref<323584xi32, #tpu.memory_space<hbm>> -> memref<128xi32, #tpu.memory_space<hbm>>
        %dma_start3A_32 = tpu.memref_slice %arg4[%add3A_26] : memref<323584xi32, #tpu.memory_space<hbm>> -> memref<128xi32, #tpu.memory_space<hbm>>
        tpu.enqueue_dma source(%dma_start3A_32 : memref<128xi32, #tpu.memory_space<hbm>>) target(%arg9 : memref<128xi32, #tpu.memory_space<vmem>>) target_semaphore(%run_scoped3A : memref<!tpu.dma_semaphore, #tpu.memory_space<semaphore_mem>>)
        %dma_wait3A_33 = tpu.memref_slice %arg4[%add3A_26] : memref<323584xi32, #tpu.memory_space<hbm>> -> memref<128xi32, #tpu.memory_space<hbm>>
        %dma_wait3A_34 = tpu.memref_slice %arg4[%add3A_26] : memref<323584xi32, #tpu.memory_space<hbm>> -> memref<128xi32, #tpu.memory_space<hbm>>
        tpu.wait_dma2 semaphore(%run_scoped3A : memref<!tpu.dma_semaphore, #tpu.memory_space<semaphore_mem>>) src(%dma_wait3A_34 : memref<128xi32, #tpu.memory_space<hbm>>) dst(%arg9 : memref<128xi32, #tpu.memory_space<vmem>>)
        tpu.yield
      }) : () -> ()
      %dma_start3A = arith.constant 0 : i32
      %dma_start3A_27 = arith.constant 0 : i32
      %dma_start3A_28 = tpu.memref_slice %arg2[%dma_start3A, %dma_start3A_27] : memref<10240x128xf32, #tpu.memory_space<hbm>> -> memref<10240x128xf32, #tpu.memory_space<hbm>>
      tpu.enqueue_indirect_dma source(%dma_start3A_28 : memref<10240x128xf32, #tpu.memory_space<hbm>>) target(%arg10 : memref<128x128xf32, #tpu.memory_space<vmem>>) offsets(%arg8 : memref<128xi32, #tpu.memory_space<vmem>>) semaphore(%arg11 : memref<!tpu.dma_semaphore, #tpu.memory_space<semaphore_mem>>)
      %dma_wait3A = arith.constant 0 : i32
      %dma_wait3A_29 = arith.constant 0 : i32
      %dma_wait3A_30 = tpu.memref_slice %arg2[%dma_wait3A, %dma_wait3A_29] : memref<10240x128xf32, #tpu.memory_space<hbm>> -> memref<10240x128xf32, #tpu.memory_space<hbm>>
      tpu.wait_indirect_dma semaphore(%arg11 : memref<!tpu.dma_semaphore, #tpu.memory_space<semaphore_mem>>) src(%dma_wait3A_30 : memref<10240x128xf32, #tpu.memory_space<hbm>>) dst(%arg10 : memref<128x128xf32, #tpu.memory_space<vmem>>)
      "tpu.region"() ({
        %run_scoped3A = tpu.sem_alloc : memref<!tpu.dma_semaphore, #tpu.memory_space<semaphore_mem>>
        %dma_start3A_31 = arith.constant 0 : i32
        %dma_start3A_32 = arith.constant 0 : i32
        %dma_start3A_33 = tpu.memref_slice %arg7[%dma_start3A_31, %dma_start3A_32] : memref<10240x128xf32, #tpu.memory_space<vmem_shared>> -> memref<10240x128xf32, #tpu.memory_space<vmem_shared>>
        tpu.enqueue_indirect_dma source(%arg10 : memref<128x128xf32, #tpu.memory_space<vmem>>) target(%dma_start3A_33 : memref<10240x128xf32, #tpu.memory_space<vmem_shared>>) offsets(%arg9 : memref<128xi32, #tpu.memory_space<vmem>>) semaphore(%run_scoped3A : memref<!tpu.dma_semaphore, #tpu.memory_space<semaphore_mem>>) {add = true}
        %dma_wait3A_34 = arith.constant 0 : i32
        %dma_wait3A_35 = arith.constant 0 : i32
        %dma_wait3A_36 = tpu.memref_slice %arg7[%dma_wait3A_34, %dma_wait3A_35] : memref<10240x128xf32, #tpu.memory_space<vmem_shared>> -> memref<10240x128xf32, #tpu.memory_space<vmem_shared>>
        tpu.wait_indirect_dma semaphore(%run_scoped3A : memref<!tpu.dma_semaphore, #tpu.memory_space<semaphore_mem>>) src(%arg10 : memref<128x128xf32, #tpu.memory_space<vmem>>) dst(%dma_wait3A_36 : memref<10240x128xf32, #tpu.memory_space<vmem_shared>>)
        tpu.yield
      }) : () -> ()
    }
    %scan3A_15 = arith.constant 79 : i32
    %barrier3A_16 = arith.constant 0 : index
    tpu.barrier barrier_id(%barrier3A_16)
    %scan3A_17 = arith.constant 0 : i32
    %scan3A_18 = arith.constant 0 : i32
    %scan3A_19 = arith.constant 5 : i32
    %scan3A_20 = arith.addi %scan3A_18, %scan3A_19 : i32
    %scan3A_21 = arith.constant 1 : i32
    scf.for %scan3A_23 = %scan3A_18 to %scan3A_20 step %scan3A_21  : i32 {
      %mul3A_24 = arith.constant 128 : i32
      %mul3A_25 = arith.muli %scan3A_23, %mul3A_24 : i32
      %add3A_26 = arith.addi %mul3A_2, %mul3A_25 : i32
      "tpu.region"() ({
        %run_scoped3A = tpu.sem_alloc : memref<!tpu.dma_semaphore, #tpu.memory_space<semaphore_mem>>
        %dma_start3A = arith.constant 0 : i32
        %dma_start3A_30 = tpu.memref_slice %arg7[%add3A_26, %dma_start3A] : memref<10240x128xf32, #tpu.memory_space<vmem_shared>> -> memref<128x128xf32, #tpu.memory_space<vmem_shared>>
        %dma_start3A_31 = arith.constant 0 : i32
        %dma_start3A_32 = tpu.memref_slice %arg7[%add3A_26, %dma_start3A_31] : memref<10240x128xf32, #tpu.memory_space<vmem_shared>> -> memref<128x128xf32, #tpu.memory_space<vmem_shared>>
        tpu.enqueue_dma source(%dma_start3A_32 : memref<128x128xf32, #tpu.memory_space<vmem_shared>>) target(%arg10 : memref<128x128xf32, #tpu.memory_space<vmem>>) target_semaphore(%run_scoped3A : memref<!tpu.dma_semaphore, #tpu.memory_space<semaphore_mem>>)
        %dma_wait3A = arith.constant 0 : i32
        %dma_wait3A_33 = tpu.memref_slice %arg7[%add3A_26, %dma_wait3A] : memref<10240x128xf32, #tpu.memory_space<vmem_shared>> -> memref<128x128xf32, #tpu.memory_space<vmem_shared>>
        %dma_wait3A_34 = arith.constant 0 : i32
        %dma_wait3A_35 = tpu.memref_slice %arg7[%add3A_26, %dma_wait3A_34] : memref<10240x128xf32, #tpu.memory_space<vmem_shared>> -> memref<128x128xf32, #tpu.memory_space<vmem_shared>>
        tpu.wait_dma2 semaphore(%run_scoped3A : memref<!tpu.dma_semaphore, #tpu.memory_space<semaphore_mem>>) src(%dma_wait3A_35 : memref<128x128xf32, #tpu.memory_space<vmem_shared>>) dst(%arg10 : memref<128x128xf32, #tpu.memory_space<vmem>>)
        tpu.yield
      }) : () -> ()
      %mul3A_27 = arith.constant 10240 : i32
      %mul3A_28 = arith.muli %arg0, %mul3A_27 : i32
      %add3A_29 = arith.addi %mul3A_28, %add3A_26 : i32
      "tpu.region"() ({
        %run_scoped3A = tpu.sem_alloc : memref<!tpu.dma_semaphore, #tpu.memory_space<semaphore_mem>>
        %dma_start3A = arith.constant 0 : i32
        %dma_start3A_30 = tpu.memref_slice %arg6[%add3A_29, %dma_start3A] : memref<20480x128xf32, #tpu.memory_space<hbm>> -> memref<128x128xf32, #tpu.memory_space<hbm>>
        %dma_start3A_31 = arith.constant 0 : i32
        %dma_start3A_32 = tpu.memref_slice %arg6[%add3A_29, %dma_start3A_31] : memref<20480x128xf32, #tpu.memory_space<hbm>> -> memref<128x128xf32, #tpu.memory_space<hbm>>
        tpu.enqueue_dma source(%arg10 : memref<128x128xf32, #tpu.memory_space<vmem>>) target(%dma_start3A_32 : memref<128x128xf32, #tpu.memory_space<hbm>>) target_semaphore(%run_scoped3A : memref<!tpu.dma_semaphore, #tpu.memory_space<semaphore_mem>>)
        %dma_wait3A = arith.constant 0 : i32
        %dma_wait3A_33 = tpu.memref_slice %arg6[%add3A_29, %dma_wait3A] : memref<20480x128xf32, #tpu.memory_space<hbm>> -> memref<128x128xf32, #tpu.memory_space<hbm>>
        %dma_wait3A_34 = arith.constant 0 : i32
        %dma_wait3A_35 = tpu.memref_slice %arg6[%add3A_29, %dma_wait3A_34] : memref<20480x128xf32, #tpu.memory_space<hbm>> -> memref<128x128xf32, #tpu.memory_space<hbm>>
        tpu.wait_dma2 semaphore(%run_scoped3A : memref<!tpu.dma_semaphore, #tpu.memory_space<semaphore_mem>>) src(%arg10 : memref<128x128xf32, #tpu.memory_space<vmem>>) dst(%dma_wait3A_35 : memref<128x128xf32, #tpu.memory_space<hbm>>)
        tpu.yield
      }) : () -> ()
    }
    %scan3A_22 = arith.constant 5 : i32
    return
  }
}

#map = affine_map<(d0, d1) -> (0, 0)>
#map1 = affine_map<(d0, d1) -> (0)>
module attributes {stable_mosaic.version = 14 : i64} {
  func.func @body(%arg0: i32, %arg1: i32, %arg2: memref<10240x128xf32, #tpu.memory_space<hbm>>, %arg3: memref<323584xi32, #tpu.memory_space<hbm>>, %arg4: memref<323584xi32, #tpu.memory_space<hbm>>, %arg5: memref<10240x128xf32, #tpu.memory_space<hbm>>, %arg6: memref<20480x128xf32, #tpu.memory_space<hbm>>, %arg7: memref<10240x128xf32, #tpu.memory_space<vmem_shared>>, %arg8: memref<128xi32, #tpu.memory_space<vmem>>, %arg9: memref<128xi32, #tpu.memory_space<vmem>>, %arg10: memref<128x128xf32, #tpu.memory_space<vmem>>, %arg11: memref<!tpu.dma_semaphore, #tpu.memory_space<semaphore_mem>>) attributes {dimension_semantics = [#tpu.dimension_semantics<core_parallel>, #tpu.dimension_semantics<subcore_parallel>], iteration_bounds = array<i64: 2, 16>, scalar_prefetch = 0 : i64, scratch_operands = 5 : i64, tpu.core_type = #tpu.core_type<sc_vector_subcore>, window_params = [{transform_indices = #map}, {transform_indices = #map1}, {transform_indices = #map1}, {transform_indices = #map}, {transform_indices = #map}]} {
    %mul3A = arith.constant 2 : i32
    %mul3A_0 = arith.muli %arg1, %mul3A : i32
    %add3A = arith.addi %mul3A_0, %arg0 : i32
    %mul3A_1 = arith.constant 640 : i32
    %mul3A_2 = arith.muli %arg1, %mul3A_1 : i32
    %mul3A_3 = arith.constant 10112 : i32
    %mul3A_4 = arith.muli %add3A, %mul3A_3 : i32
    %scan3A = arith.constant 0 : i32
    %scan3A_5 = arith.constant 0 : i32
    %scan3A_6 = arith.constant 5 : i32
    %scan3A_7 = arith.addi %scan3A_5, %scan3A_6 : i32
    %scan3A_8 = arith.constant 1 : i32
    scf.for %scan3A_23 = %scan3A_5 to %scan3A_7 step %scan3A_8  : i32 {
      %mul3A_24 = arith.constant 128 : i32
      %mul3A_25 = arith.muli %scan3A_23, %mul3A_24 : i32
      %add3A_26 = arith.addi %mul3A_2, %mul3A_25 : i32
      "tpu.region"() ({
        %run_scoped3A = tpu.sem_alloc : memref<!tpu.dma_semaphore, #tpu.memory_space<semaphore_mem>>
        %dma_start3A = arith.constant 0 : i32
        %dma_start3A_27 = tpu.memref_slice %arg5[%add3A_26, %dma_start3A] : memref<10240x128xf32, #tpu.memory_space<hbm>> -> memref<128x128xf32, #tpu.memory_space<hbm>>
        %dma_start3A_28 = arith.constant 0 : i32
        %dma_start3A_29 = tpu.memref_slice %arg5[%add3A_26, %dma_start3A_28] : memref<10240x128xf32, #tpu.memory_space<hbm>> -> memref<128x128xf32, #tpu.memory_space<hbm>>
        tpu.enqueue_dma source(%dma_start3A_29 : memref<128x128xf32, #tpu.memory_space<hbm>>) target(%arg10 : memref<128x128xf32, #tpu.memory_space<vmem>>) target_semaphore(%run_scoped3A : memref<!tpu.dma_semaphore, #tpu.memory_space<semaphore_mem>>)
        %dma_wait3A = arith.constant 0 : i32
        %dma_wait3A_30 = tpu.memref_slice %arg5[%add3A_26, %dma_wait3A] : memref<10240x128xf32, #tpu.memory_space<hbm>> -> memref<128x128xf32, #tpu.memory_space<hbm>>
        %dma_wait3A_31 = arith.constant 0 : i32
        %dma_wait3A_32 = tpu.memref_slice %arg5[%add3A_26, %dma_wait3A_31] : memref<10240x128xf32, #tpu.memory_space<hbm>> -> memref<128x128xf32, #tpu.memory_space<hbm>>
        tpu.wait_dma2 semaphore(%run_scoped3A : memref<!tpu.dma_semaphore, #tpu.memory_space<semaphore_mem>>) src(%dma_wait3A_32 : memref<128x128xf32, #tpu.memory_space<hbm>>) dst(%arg10 : memref<128x128xf32, #tpu.memory_space<vmem>>)
        tpu.yield
      }) : () -> ()
      "tpu.region"() ({
        %run_scoped3A = tpu.sem_alloc : memref<!tpu.dma_semaphore, #tpu.memory_space<semaphore_mem>>
        %dma_start3A = arith.constant 0 : i32
        %dma_start3A_27 = tpu.memref_slice %arg7[%add3A_26, %dma_start3A] : memref<10240x128xf32, #tpu.memory_space<vmem_shared>> -> memref<128x128xf32, #tpu.memory_space<vmem_shared>>
        %dma_start3A_28 = arith.constant 0 : i32
        %dma_start3A_29 = tpu.memref_slice %arg7[%add3A_26, %dma_start3A_28] : memref<10240x128xf32, #tpu.memory_space<vmem_shared>> -> memref<128x128xf32, #tpu.memory_space<vmem_shared>>
        tpu.enqueue_dma source(%arg10 : memref<128x128xf32, #tpu.memory_space<vmem>>) target(%dma_start3A_29 : memref<128x128xf32, #tpu.memory_space<vmem_shared>>) target_semaphore(%run_scoped3A : memref<!tpu.dma_semaphore, #tpu.memory_space<semaphore_mem>>)
        %dma_wait3A = arith.constant 0 : i32
        %dma_wait3A_30 = tpu.memref_slice %arg7[%add3A_26, %dma_wait3A] : memref<10240x128xf32, #tpu.memory_space<vmem_shared>> -> memref<128x128xf32, #tpu.memory_space<vmem_shared>>
        %dma_wait3A_31 = arith.constant 0 : i32
        %dma_wait3A_32 = tpu.memref_slice %arg7[%add3A_26, %dma_wait3A_31] : memref<10240x128xf32, #tpu.memory_space<vmem_shared>> -> memref<128x128xf32, #tpu.memory_space<vmem_shared>>
        tpu.wait_dma2 semaphore(%run_scoped3A : memref<!tpu.dma_semaphore, #tpu.memory_space<semaphore_mem>>) src(%arg10 : memref<128x128xf32, #tpu.memory_space<vmem>>) dst(%dma_wait3A_32 : memref<128x128xf32, #tpu.memory_space<vmem_shared>>)
        tpu.yield
      }) : () -> ()
    }
    %scan3A_9 = arith.constant 5 : i32
    %barrier3A = arith.constant 0 : index
    tpu.barrier barrier_id(%barrier3A)
    %scan3A_10 = arith.constant 0 : i32
    %scan3A_11 = arith.constant 0 : i32
    %scan3A_12 = arith.constant 79 : i32
    %scan3A_13 = arith.addi %scan3A_11, %scan3A_12 : i32
    %scan3A_14 = arith.constant 1 : i32
    scf.for %scan3A_23 = %scan3A_11 to %scan3A_13 step %scan3A_14  : i32 {
      %mul3A_24 = arith.constant 128 : i32
      %mul3A_25 = arith.muli %scan3A_23, %mul3A_24 : i32
      %add3A_26 = arith.addi %mul3A_4, %mul3A_25 : i32
      "tpu.region"() ({
        %run_scoped3A = tpu.sem_alloc : memref<!tpu.dma_semaphore, #tpu.memory_space<semaphore_mem>>
        %dma_start3A_31 = tpu.memref_slice %arg3[%add3A_26] : memref<323584xi32, #tpu.memory_space<hbm>> -> memref<128xi32, #tpu.memory_space<hbm>>
        %dma_start3A_32 = tpu.memref_slice %arg3[%add3A_26] : memref<323584xi32, #tpu.memory_space<hbm>> -> memref<128xi32, #tpu.memory_space<hbm>>
        tpu.enqueue_dma source(%dma_start3A_32 : memref<128xi32, #tpu.memory_space<hbm>>) target(%arg8 : memref<128xi32, #tpu.memory_space<vmem>>) target_semaphore(%run_scoped3A : memref<!tpu.dma_semaphore, #tpu.memory_space<semaphore_mem>>)
        %dma_wait3A_33 = tpu.memref_slice %arg3[%add3A_26] : memref<323584xi32, #tpu.memory_space<hbm>> -> memref<128xi32, #tpu.memory_space<hbm>>
        %dma_wait3A_34 = tpu.memref_slice %arg3[%add3A_26] : memref<323584xi32, #tpu.memory_space<hbm>> -> memref<128xi32, #tpu.memory_space<hbm>>
        tpu.wait_dma2 semaphore(%run_scoped3A : memref<!tpu.dma_semaphore, #tpu.memory_space<semaphore_mem>>) src(%dma_wait3A_34 : memref<128xi32, #tpu.memory_space<hbm>>) dst(%arg8 : memref<128xi32, #tpu.memory_space<vmem>>)
        tpu.yield
      }) : () -> ()
      "tpu.region"() ({
        %run_scoped3A = tpu.sem_alloc : memref<!tpu.dma_semaphore, #tpu.memory_space<semaphore_mem>>
        %dma_start3A_31 = tpu.memref_slice %arg4[%add3A_26] : memref<323584xi32, #tpu.memory_space<hbm>> -> memref<128xi32, #tpu.memory_space<hbm>>
        %dma_start3A_32 = tpu.memref_slice %arg4[%add3A_26] : memref<323584xi32, #tpu.memory_space<hbm>> -> memref<128xi32, #tpu.memory_space<hbm>>
        tpu.enqueue_dma source(%dma_start3A_32 : memref<128xi32, #tpu.memory_space<hbm>>) target(%arg9 : memref<128xi32, #tpu.memory_space<vmem>>) target_semaphore(%run_scoped3A : memref<!tpu.dma_semaphore, #tpu.memory_space<semaphore_mem>>)
        %dma_wait3A_33 = tpu.memref_slice %arg4[%add3A_26] : memref<323584xi32, #tpu.memory_space<hbm>> -> memref<128xi32, #tpu.memory_space<hbm>>
        %dma_wait3A_34 = tpu.memref_slice %arg4[%add3A_26] : memref<323584xi32, #tpu.memory_space<hbm>> -> memref<128xi32, #tpu.memory_space<hbm>>
        tpu.wait_dma2 semaphore(%run_scoped3A : memref<!tpu.dma_semaphore, #tpu.memory_space<semaphore_mem>>) src(%dma_wait3A_34 : memref<128xi32, #tpu.memory_space<hbm>>) dst(%arg9 : memref<128xi32, #tpu.memory_space<vmem>>)
        tpu.yield
      }) : () -> ()
      %dma_start3A = arith.constant 0 : i32
      %dma_start3A_27 = arith.constant 0 : i32
      %dma_start3A_28 = tpu.memref_slice %arg2[%dma_start3A, %dma_start3A_27] : memref<10240x128xf32, #tpu.memory_space<hbm>> -> memref<10240x128xf32, #tpu.memory_space<hbm>>
      tpu.enqueue_indirect_dma source(%dma_start3A_28 : memref<10240x128xf32, #tpu.memory_space<hbm>>) target(%arg10 : memref<128x128xf32, #tpu.memory_space<vmem>>) offsets(%arg8 : memref<128xi32, #tpu.memory_space<vmem>>) semaphore(%arg11 : memref<!tpu.dma_semaphore, #tpu.memory_space<semaphore_mem>>)
      %dma_wait3A = arith.constant 0 : i32
      %dma_wait3A_29 = arith.constant 0 : i32
      %dma_wait3A_30 = tpu.memref_slice %arg2[%dma_wait3A, %dma_wait3A_29] : memref<10240x128xf32, #tpu.memory_space<hbm>> -> memref<10240x128xf32, #tpu.memory_space<hbm>>
      tpu.wait_indirect_dma semaphore(%arg11 : memref<!tpu.dma_semaphore, #tpu.memory_space<semaphore_mem>>) src(%dma_wait3A_30 : memref<10240x128xf32, #tpu.memory_space<hbm>>) dst(%arg10 : memref<128x128xf32, #tpu.memory_space<vmem>>)
      "tpu.region"() ({
        %run_scoped3A = tpu.sem_alloc : memref<!tpu.dma_semaphore, #tpu.memory_space<semaphore_mem>>
        %dma_start3A_31 = arith.constant 0 : i32
        %dma_start3A_32 = arith.constant 0 : i32
        %dma_start3A_33 = tpu.memref_slice %arg7[%dma_start3A_31, %dma_start3A_32] : memref<10240x128xf32, #tpu.memory_space<vmem_shared>> -> memref<10240x128xf32, #tpu.memory_space<vmem_shared>>
        tpu.enqueue_indirect_dma source(%arg10 : memref<128x128xf32, #tpu.memory_space<vmem>>) target(%dma_start3A_33 : memref<10240x128xf32, #tpu.memory_space<vmem_shared>>) offsets(%arg9 : memref<128xi32, #tpu.memory_space<vmem>>) semaphore(%run_scoped3A : memref<!tpu.dma_semaphore, #tpu.memory_space<semaphore_mem>>) {add = true}
        %dma_wait3A_34 = arith.constant 0 : i32
        %dma_wait3A_35 = arith.constant 0 : i32
        %dma_wait3A_36 = tpu.memref_slice %arg7[%dma_wait3A_34, %dma_wait3A_35] : memref<10240x128xf32, #tpu.memory_space<vmem_shared>> -> memref<10240x128xf32, #tpu.memory_space<vmem_shared>>
        tpu.wait_indirect_dma semaphore(%run_scoped3A : memref<!tpu.dma_semaphore, #tpu.memory_space<semaphore_mem>>) src(%arg10 : memref<128x128xf32, #tpu.memory_space<vmem>>) dst(%dma_wait3A_36 : memref<10240x128xf32, #tpu.memory_space<vmem_shared>>)
        tpu.yield
      }) : () -> ()
    }
    %scan3A_15 = arith.constant 79 : i32
    %barrier3A_16 = arith.constant 0 : index
    tpu.barrier barrier_id(%barrier3A_16)
    %scan3A_17 = arith.constant 0 : i32
    %scan3A_18 = arith.constant 0 : i32
    %scan3A_19 = arith.constant 5 : i32
    %scan3A_20 = arith.addi %scan3A_18, %scan3A_19 : i32
    %scan3A_21 = arith.constant 1 : i32
    scf.for %scan3A_23 = %scan3A_18 to %scan3A_20 step %scan3A_21  : i32 {
      %mul3A_24 = arith.constant 128 : i32
      %mul3A_25 = arith.muli %scan3A_23, %mul3A_24 : i32
      %add3A_26 = arith.addi %mul3A_2, %mul3A_25 : i32
      "tpu.region"() ({
        %run_scoped3A = tpu.sem_alloc : memref<!tpu.dma_semaphore, #tpu.memory_space<semaphore_mem>>
        %dma_start3A = arith.constant 0 : i32
        %dma_start3A_30 = tpu.memref_slice %arg7[%add3A_26, %dma_start3A] : memref<10240x128xf32, #tpu.memory_space<vmem_shared>> -> memref<128x128xf32, #tpu.memory_space<vmem_shared>>
        %dma_start3A_31 = arith.constant 0 : i32
        %dma_start3A_32 = tpu.memref_slice %arg7[%add3A_26, %dma_start3A_31] : memref<10240x128xf32, #tpu.memory_space<vmem_shared>> -> memref<128x128xf32, #tpu.memory_space<vmem_shared>>
        tpu.enqueue_dma source(%dma_start3A_32 : memref<128x128xf32, #tpu.memory_space<vmem_shared>>) target(%arg10 : memref<128x128xf32, #tpu.memory_space<vmem>>) target_semaphore(%run_scoped3A : memref<!tpu.dma_semaphore, #tpu.memory_space<semaphore_mem>>)
        %dma_wait3A = arith.constant 0 : i32
        %dma_wait3A_33 = tpu.memref_slice %arg7[%add3A_26, %dma_wait3A] : memref<10240x128xf32, #tpu.memory_space<vmem_shared>> -> memref<128x128xf32, #tpu.memory_space<vmem_shared>>
        %dma_wait3A_34 = arith.constant 0 : i32
        %dma_wait3A_35 = tpu.memref_slice %arg7[%add3A_26, %dma_wait3A_34] : memref<10240x128xf32, #tpu.memory_space<vmem_shared>> -> memref<128x128xf32, #tpu.memory_space<vmem_shared>>
        tpu.wait_dma2 semaphore(%run_scoped3A : memref<!tpu.dma_semaphore, #tpu.memory_space<semaphore_mem>>) src(%dma_wait3A_35 : memref<128x128xf32, #tpu.memory_space<vmem_shared>>) dst(%arg10 : memref<128x128xf32, #tpu.memory_space<vmem>>)
        tpu.yield
      }) : () -> ()
      %mul3A_27 = arith.constant 10240 : i32
      %mul3A_28 = arith.muli %arg0, %mul3A_27 : i32
      %add3A_29 = arith.addi %mul3A_28, %add3A_26 : i32
      "tpu.region"() ({
        %run_scoped3A = tpu.sem_alloc : memref<!tpu.dma_semaphore, #tpu.memory_space<semaphore_mem>>
        %dma_start3A = arith.constant 0 : i32
        %dma_start3A_30 = tpu.memref_slice %arg6[%add3A_29, %dma_start3A] : memref<20480x128xf32, #tpu.memory_space<hbm>> -> memref<128x128xf32, #tpu.memory_space<hbm>>
        %dma_start3A_31 = arith.constant 0 : i32
        %dma_start3A_32 = tpu.memref_slice %arg6[%add3A_29, %dma_start3A_31] : memref<20480x128xf32, #tpu.memory_space<hbm>> -> memref<128x128xf32, #tpu.memory_space<hbm>>
        tpu.enqueue_dma source(%arg10 : memref<128x128xf32, #tpu.memory_space<vmem>>) target(%dma_start3A_32 : memref<128x128xf32, #tpu.memory_space<hbm>>) target_semaphore(%run_scoped3A : memref<!tpu.dma_semaphore, #tpu.memory_space<semaphore_mem>>)
        %dma_wait3A = arith.constant 0 : i32
        %dma_wait3A_33 = tpu.memref_slice %arg6[%add3A_29, %dma_wait3A] : memref<20480x128xf32, #tpu.memory_space<hbm>> -> memref<128x128xf32, #tpu.memory_space<hbm>>
        %dma_wait3A_34 = arith.constant 0 : i32
        %dma_wait3A_35 = tpu.memref_slice %arg6[%add3A_29, %dma_wait3A_34] : memref<20480x128xf32, #tpu.memory_space<hbm>> -> memref<128x128xf32, #tpu.memory_space<hbm>>
        tpu.wait_dma2 semaphore(%run_scoped3A : memref<!tpu.dma_semaphore, #tpu.memory_space<semaphore_mem>>) src(%arg10 : memref<128x128xf32, #tpu.memory_space<vmem>>) dst(%dma_wait3A_35 : memref<128x128xf32, #tpu.memory_space<hbm>>)
        tpu.yield
      }) : () -> ()
    }
    %scan3A_22 = arith.constant 5 : i32
    return
  }
}

module attributes {stable_mosaic.version = 14 : i64} {
  func.func @kern(%arg0: memref<2x10240x128xf32, #tpu.memory_space<vmem>>, %arg1: memref<32x10240xf32, #tpu.memory_space<vmem>>, %arg2: memref<10240x128xf32, #tpu.memory_space<vmem>>, %arg3: memref<128x128xf32, #tpu.memory_space<vmem>>, %arg4: memref<128xf32, #tpu.memory_space<vmem>>, %arg5: memref<128x128xf32, #tpu.memory_space<vmem>>, %arg6: memref<128xf32, #tpu.memory_space<vmem>>, %arg7: memref<128xf32, #tpu.memory_space<vmem>>, %arg8: memref<10240x128xf32, #tpu.memory_space<vmem>>) attributes {dimension_semantics = [], scalar_prefetch = 0 : i64, scratch_operands = 0 : i64, tpu.core_type = #tpu.core_type<tc>} {
    %get3A = arith.constant 0 : index
    %get3A_0 = arith.constant 0 : index
    %get3A_1 = arith.constant 0 : index
    %get3A_2 = vector.load %arg0[%get3A, %get3A_0, %get3A_1] : memref<2x10240x128xf32, #tpu.memory_space<vmem>>, vector<1x10240x128xf32>
    %get3A_3 = vector.shape_cast %get3A_2 : vector<1x10240x128xf32> to vector<10240x128xf32>
    %get3A_4 = arith.constant 1 : index
    %get3A_5 = arith.constant 0 : index
    %get3A_6 = arith.constant 0 : index
    %get3A_7 = vector.load %arg0[%get3A_4, %get3A_5, %get3A_6] : memref<2x10240x128xf32, #tpu.memory_space<vmem>>, vector<1x10240x128xf32>
    %get3A_8 = vector.shape_cast %get3A_7 : vector<1x10240x128xf32> to vector<10240x128xf32>
    %add3A = arith.addf %get3A_3, %get3A_8 : vector<10240x128xf32>
    %get3A_9 = arith.constant 0 : index
    %get3A_10 = arith.constant 0 : index
    %get3A_11 = vector.load %arg1[%get3A_9, %get3A_10] : memref<32x10240xf32, #tpu.memory_space<vmem>>, vector<32x10240xf32>
    %reduce_sum3A = arith.constant dense<0.000000e+00> : vector<10240xf32>
    %reduce_sum3A_12 = vector.multi_reduction <add>, %get3A_11, %reduce_sum3A [0] : vector<32x10240xf32> to vector<10240xf32>
    %broadcast_in_dim3A = vector.shape_cast %reduce_sum3A_12 : vector<10240xf32> to vector<10240x1xf32>
    %max3A = arith.constant 1.000000e+00 : f32
    %max3A_13 = vector.broadcast %max3A : f32 to vector<10240x1xf32>
    %max3A_14 = arith.maximumf %broadcast_in_dim3A, %max3A_13 : vector<10240x1xf32>
    %div3A = vector.broadcast %max3A_14 : vector<10240x1xf32> to vector<10240x128xf32>
    %div3A_15 = arith.divf %add3A, %div3A : vector<10240x128xf32>
    %get3A_16 = arith.constant 0 : index
    %get3A_17 = arith.constant 0 : index
    %get3A_18 = vector.load %arg3[%get3A_16, %get3A_17] : memref<128x128xf32, #tpu.memory_space<vmem>>, vector<128x128xf32>
    %dot_general3A = arith.constant dense<0.000000e+00> : vector<10240x128xf32>
    %dot_general3A_19 = tpu.matmul %div3A_15, %get3A_18, %dot_general3A {dimension_numbers = #tpu.dot_dimension_numbers<[1], [1], [0], [0], [0, 0, 1, 0], [], []>, transpose_lhs_hint = false} : vector<10240x128xf32>, vector<128x128xf32>, vector<10240x128xf32> -> vector<10240x128xf32>
    %get3A_20 = arith.constant 0 : index
    %get3A_21 = vector.load %arg4[%get3A_20] : memref<128xf32, #tpu.memory_space<vmem>>, vector<128xf32>
    %broadcast_in_dim3A_22 = vector.shape_cast %get3A_21 : vector<128xf32> to vector<1x128xf32>
    %add3A_23 = vector.broadcast %broadcast_in_dim3A_22 : vector<1x128xf32> to vector<10240x128xf32>
    %add3A_24 = arith.addf %dot_general3A_19, %add3A_23 : vector<10240x128xf32>
    %get3A_25 = arith.constant 0 : index
    %get3A_26 = arith.constant 0 : index
    %get3A_27 = vector.load %arg2[%get3A_25, %get3A_26] : memref<10240x128xf32, #tpu.memory_space<vmem>>, vector<10240x128xf32>
    %get3A_28 = arith.constant 0 : index
    %get3A_29 = arith.constant 0 : index
    %get3A_30 = vector.load %arg5[%get3A_28, %get3A_29] : memref<128x128xf32, #tpu.memory_space<vmem>>, vector<128x128xf32>
    %dot_general3A_31 = arith.constant dense<0.000000e+00> : vector<10240x128xf32>
    %dot_general3A_32 = tpu.matmul %get3A_27, %get3A_30, %dot_general3A_31 {dimension_numbers = #tpu.dot_dimension_numbers<[1], [1], [0], [0], [0, 0, 1, 0], [], []>, transpose_lhs_hint = false} : vector<10240x128xf32>, vector<128x128xf32>, vector<10240x128xf32> -> vector<10240x128xf32>
    %add3A_33 = arith.addf %add3A_24, %dot_general3A_32 : vector<10240x128xf32>
    %iota3A = tpu.iota {dimensions = array<i32: 0>} : vector<10240x1xi32>
    %lt3A = arith.constant 10000 : i32
    %lt3A_34 = vector.broadcast %lt3A : i32 to vector<10240x1xi32>
    %lt3A_35 = arith.cmpi slt, %iota3A, %lt3A_34 : vector<10240x1xi32>
    %convert_element_type3A = arith.extui %lt3A_35 : vector<10240x1xi1> to vector<10240x1xi32>
    %convert_element_type3A_36 = arith.sitofp %convert_element_type3A : vector<10240x1xi32> to vector<10240x1xf32>
    %mul3A = vector.broadcast %convert_element_type3A_36 : vector<10240x1xf32> to vector<10240x128xf32>
    %mul3A_37 = arith.mulf %add3A_33, %mul3A : vector<10240x128xf32>
    %reduce_sum3A_38 = arith.constant dense<0.000000e+00> : vector<128xf32>
    %reduce_sum3A_39 = vector.multi_reduction <add>, %mul3A_37, %reduce_sum3A_38 [0] : vector<10240x128xf32> to vector<128xf32>
    %broadcast_in_dim3A_40 = vector.shape_cast %reduce_sum3A_39 : vector<128xf32> to vector<1x128xf32>
    %div3A_41 = arith.constant 1.000000e+04 : f32
    %div3A_42 = vector.broadcast %div3A_41 : f32 to vector<1x128xf32>
    %div3A_43 = arith.divf %broadcast_in_dim3A_40, %div3A_42 : vector<1x128xf32>
    %sub3A = vector.broadcast %div3A_43 : vector<1x128xf32> to vector<10240x128xf32>
    %sub3A_44 = arith.subf %add3A_33, %sub3A : vector<10240x128xf32>
    %sub3A_45 = vector.broadcast %div3A_43 : vector<1x128xf32> to vector<10240x128xf32>
    %sub3A_46 = arith.subf %add3A_33, %sub3A_45 : vector<10240x128xf32>
    %sub3A_47 = vector.broadcast %div3A_43 : vector<1x128xf32> to vector<10240x128xf32>
    %sub3A_48 = arith.subf %add3A_33, %sub3A_47 : vector<10240x128xf32>
    %mul3A_49 = arith.mulf %sub3A_46, %sub3A_48 : vector<10240x128xf32>
    %mul3A_50 = vector.broadcast %convert_element_type3A_36 : vector<10240x1xf32> to vector<10240x128xf32>
    %mul3A_51 = arith.mulf %mul3A_49, %mul3A_50 : vector<10240x128xf32>
    %reduce_sum3A_52 = arith.constant dense<0.000000e+00> : vector<128xf32>
    %reduce_sum3A_53 = vector.multi_reduction <add>, %mul3A_51, %reduce_sum3A_52 [0] : vector<10240x128xf32> to vector<128xf32>
    %broadcast_in_dim3A_54 = vector.shape_cast %reduce_sum3A_53 : vector<128xf32> to vector<1x128xf32>
    %div3A_55 = arith.constant 1.000000e+04 : f32
    %div3A_56 = vector.broadcast %div3A_55 : f32 to vector<1x128xf32>
    %div3A_57 = arith.divf %broadcast_in_dim3A_54, %div3A_56 : vector<1x128xf32>
    %add3A_58 = arith.constant 9.99999974E-6 : f32
    %add3A_59 = vector.broadcast %add3A_58 : f32 to vector<1x128xf32>
    %add3A_60 = arith.addf %div3A_57, %add3A_59 : vector<1x128xf32>
    %sqrt3A = math.sqrt %add3A_60 : vector<1x128xf32>
    %div3A_61 = vector.broadcast %sqrt3A : vector<1x128xf32> to vector<10240x128xf32>
    %div3A_62 = arith.divf %sub3A_44, %div3A_61 : vector<10240x128xf32>
    %get3A_63 = arith.constant 0 : index
    %get3A_64 = vector.load %arg6[%get3A_63] : memref<128xf32, #tpu.memory_space<vmem>>, vector<128xf32>
    %broadcast_in_dim3A_65 = vector.shape_cast %get3A_64 : vector<128xf32> to vector<1x128xf32>
    %mul3A_66 = vector.broadcast %broadcast_in_dim3A_65 : vector<1x128xf32> to vector<10240x128xf32>
    %mul3A_67 = arith.mulf %div3A_62, %mul3A_66 : vector<10240x128xf32>
    %get3A_68 = arith.constant 0 : index
    %get3A_69 = vector.load %arg7[%get3A_68] : memref<128xf32, #tpu.memory_space<vmem>>, vector<128xf32>
    %broadcast_in_dim3A_70 = vector.shape_cast %get3A_69 : vector<128xf32> to vector<1x128xf32>
    %add3A_71 = vector.broadcast %broadcast_in_dim3A_70 : vector<1x128xf32> to vector<10240x128xf32>
    %add3A_72 = arith.addf %mul3A_67, %add3A_71 : vector<10240x128xf32>
    %max3A_73 = arith.constant 0.000000e+00 : f32
    %max3A_74 = vector.broadcast %max3A_73 : f32 to vector<10240x128xf32>
    %max3A_75 = arith.maximumf %add3A_72, %max3A_74 : vector<10240x128xf32>
    %mul3A_76 = vector.broadcast %convert_element_type3A_36 : vector<10240x1xf32> to vector<10240x128xf32>
    %mul3A_77 = arith.mulf %max3A_75, %mul3A_76 : vector<10240x128xf32>
    %swap3A = arith.constant 0 : index
    %swap3A_78 = arith.constant 0 : index
    %swap3A_79 = vector.load %arg8[%swap3A, %swap3A_78] : memref<10240x128xf32, #tpu.memory_space<vmem>>, vector<10240x128xf32>
    tpu.vector_store %arg8[%swap3A, %swap3A_78], %mul3A_77 {strides = array<i32>} : memref<10240x128xf32, #tpu.memory_space<vmem>>, vector<10240x128xf32>,
    return
  }
}

module attributes {stable_mosaic.version = 14 : i64} {
  func.func @kern(%arg0: memref<2x10240x128xf32, #tpu.memory_space<vmem>>, %arg1: memref<32x10240xf32, #tpu.memory_space<vmem>>, %arg2: memref<10240x128xf32, #tpu.memory_space<vmem>>, %arg3: memref<64x128xf32, #tpu.memory_space<vmem>>, %arg4: memref<64xf32, #tpu.memory_space<vmem>>, %arg5: memref<64x128xf32, #tpu.memory_space<vmem>>, %arg6: memref<64xf32, #tpu.memory_space<vmem>>, %arg7: memref<64xf32, #tpu.memory_space<vmem>>, %arg8: memref<10240x64xf32, #tpu.memory_space<vmem>>) attributes {dimension_semantics = [], scalar_prefetch = 0 : i64, scratch_operands = 0 : i64, tpu.core_type = #tpu.core_type<tc>} {
    %get3A = arith.constant 0 : index
    %get3A_0 = arith.constant 0 : index
    %get3A_1 = arith.constant 0 : index
    %get3A_2 = vector.load %arg0[%get3A, %get3A_0, %get3A_1] : memref<2x10240x128xf32, #tpu.memory_space<vmem>>, vector<1x10240x128xf32>
    %get3A_3 = vector.shape_cast %get3A_2 : vector<1x10240x128xf32> to vector<10240x128xf32>
    %get3A_4 = arith.constant 1 : index
    %get3A_5 = arith.constant 0 : index
    %get3A_6 = arith.constant 0 : index
    %get3A_7 = vector.load %arg0[%get3A_4, %get3A_5, %get3A_6] : memref<2x10240x128xf32, #tpu.memory_space<vmem>>, vector<1x10240x128xf32>
    %get3A_8 = vector.shape_cast %get3A_7 : vector<1x10240x128xf32> to vector<10240x128xf32>
    %add3A = arith.addf %get3A_3, %get3A_8 : vector<10240x128xf32>
    %get3A_9 = arith.constant 0 : index
    %get3A_10 = arith.constant 0 : index
    %get3A_11 = vector.load %arg1[%get3A_9, %get3A_10] : memref<32x10240xf32, #tpu.memory_space<vmem>>, vector<32x10240xf32>
    %reduce_sum3A = arith.constant dense<0.000000e+00> : vector<10240xf32>
    %reduce_sum3A_12 = vector.multi_reduction <add>, %get3A_11, %reduce_sum3A [0] : vector<32x10240xf32> to vector<10240xf32>
    %broadcast_in_dim3A = vector.shape_cast %reduce_sum3A_12 : vector<10240xf32> to vector<10240x1xf32>
    %max3A = arith.constant 1.000000e+00 : f32
    %max3A_13 = vector.broadcast %max3A : f32 to vector<10240x1xf32>
    %max3A_14 = arith.maximumf %broadcast_in_dim3A, %max3A_13 : vector<10240x1xf32>
    %div3A = vector.broadcast %max3A_14 : vector<10240x1xf32> to vector<10240x128xf32>
    %div3A_15 = arith.divf %add3A, %div3A : vector<10240x128xf32>
    %get3A_16 = arith.constant 0 : index
    %get3A_17 = arith.constant 0 : index
    %get3A_18 = vector.load %arg3[%get3A_16, %get3A_17] : memref<64x128xf32, #tpu.memory_space<vmem>>, vector<64x128xf32>
    %dot_general3A = arith.constant dense<0.000000e+00> : vector<10240x64xf32>
    %dot_general3A_19 = tpu.matmul %div3A_15, %get3A_18, %dot_general3A {dimension_numbers = #tpu.dot_dimension_numbers<[1], [1], [0], [0], [0, 0, 1, 0], [], []>, transpose_lhs_hint = false} : vector<10240x128xf32>, vector<64x128xf32>, vector<10240x64xf32> -> vector<10240x64xf32>
    %get3A_20 = arith.constant 0 : index
    %get3A_21 = vector.load %arg4[%get3A_20] : memref<64xf32, #tpu.memory_space<vmem>>, vector<64xf32>
    %broadcast_in_dim3A_22 = vector.shape_cast %get3A_21 : vector<64xf32> to vector<1x64xf32>
    %add3A_23 = vector.broadcast %broadcast_in_dim3A_22 : vector<1x64xf32> to vector<10240x64xf32>
    %add3A_24 = arith.addf %dot_general3A_19, %add3A_23 : vector<10240x64xf32>
    %get3A_25 = arith.constant 0 : index
    %get3A_26 = arith.constant 0 : index
    %get3A_27 = vector.load %arg2[%get3A_25, %get3A_26] : memref<10240x128xf32, #tpu.memory_space<vmem>>, vector<10240x128xf32>
    %get3A_28 = arith.constant 0 : index
    %get3A_29 = arith.constant 0 : index
    %get3A_30 = vector.load %arg5[%get3A_28, %get3A_29] : memref<64x128xf32, #tpu.memory_space<vmem>>, vector<64x128xf32>
    %dot_general3A_31 = arith.constant dense<0.000000e+00> : vector<10240x64xf32>
    %dot_general3A_32 = tpu.matmul %get3A_27, %get3A_30, %dot_general3A_31 {dimension_numbers = #tpu.dot_dimension_numbers<[1], [1], [0], [0], [0, 0, 1, 0], [], []>, transpose_lhs_hint = false} : vector<10240x128xf32>, vector<64x128xf32>, vector<10240x64xf32> -> vector<10240x64xf32>
    %add3A_33 = arith.addf %add3A_24, %dot_general3A_32 : vector<10240x64xf32>
    %iota3A = tpu.iota {dimensions = array<i32: 0>} : vector<10240x1xi32>
    %lt3A = arith.constant 10000 : i32
    %lt3A_34 = vector.broadcast %lt3A : i32 to vector<10240x1xi32>
    %lt3A_35 = arith.cmpi slt, %iota3A, %lt3A_34 : vector<10240x1xi32>
    %convert_element_type3A = arith.extui %lt3A_35 : vector<10240x1xi1> to vector<10240x1xi32>
    %convert_element_type3A_36 = arith.sitofp %convert_element_type3A : vector<10240x1xi32> to vector<10240x1xf32>
    %mul3A = vector.broadcast %convert_element_type3A_36 : vector<10240x1xf32> to vector<10240x64xf32>
    %mul3A_37 = arith.mulf %add3A_33, %mul3A : vector<10240x64xf32>
    %reduce_sum3A_38 = arith.constant dense<0.000000e+00> : vector<64xf32>
    %reduce_sum3A_39 = vector.multi_reduction <add>, %mul3A_37, %reduce_sum3A_38 [0] : vector<10240x64xf32> to vector<64xf32>
    %broadcast_in_dim3A_40 = vector.shape_cast %reduce_sum3A_39 : vector<64xf32> to vector<1x64xf32>
    %div3A_41 = arith.constant 1.000000e+04 : f32
    %div3A_42 = vector.broadcast %div3A_41 : f32 to vector<1x64xf32>
    %div3A_43 = arith.divf %broadcast_in_dim3A_40, %div3A_42 : vector<1x64xf32>
    %sub3A = vector.broadcast %div3A_43 : vector<1x64xf32> to vector<10240x64xf32>
    %sub3A_44 = arith.subf %add3A_33, %sub3A : vector<10240x64xf32>
    %sub3A_45 = vector.broadcast %div3A_43 : vector<1x64xf32> to vector<10240x64xf32>
    %sub3A_46 = arith.subf %add3A_33, %sub3A_45 : vector<10240x64xf32>
    %sub3A_47 = vector.broadcast %div3A_43 : vector<1x64xf32> to vector<10240x64xf32>
    %sub3A_48 = arith.subf %add3A_33, %sub3A_47 : vector<10240x64xf32>
    %mul3A_49 = arith.mulf %sub3A_46, %sub3A_48 : vector<10240x64xf32>
    %mul3A_50 = vector.broadcast %convert_element_type3A_36 : vector<10240x1xf32> to vector<10240x64xf32>
    %mul3A_51 = arith.mulf %mul3A_49, %mul3A_50 : vector<10240x64xf32>
    %reduce_sum3A_52 = arith.constant dense<0.000000e+00> : vector<64xf32>
    %reduce_sum3A_53 = vector.multi_reduction <add>, %mul3A_51, %reduce_sum3A_52 [0] : vector<10240x64xf32> to vector<64xf32>
    %broadcast_in_dim3A_54 = vector.shape_cast %reduce_sum3A_53 : vector<64xf32> to vector<1x64xf32>
    %div3A_55 = arith.constant 1.000000e+04 : f32
    %div3A_56 = vector.broadcast %div3A_55 : f32 to vector<1x64xf32>
    %div3A_57 = arith.divf %broadcast_in_dim3A_54, %div3A_56 : vector<1x64xf32>
    %add3A_58 = arith.constant 9.99999974E-6 : f32
    %add3A_59 = vector.broadcast %add3A_58 : f32 to vector<1x64xf32>
    %add3A_60 = arith.addf %div3A_57, %add3A_59 : vector<1x64xf32>
    %sqrt3A = math.sqrt %add3A_60 : vector<1x64xf32>
    %div3A_61 = vector.broadcast %sqrt3A : vector<1x64xf32> to vector<10240x64xf32>
    %div3A_62 = arith.divf %sub3A_44, %div3A_61 : vector<10240x64xf32>
    %get3A_63 = arith.constant 0 : index
    %get3A_64 = vector.load %arg6[%get3A_63] : memref<64xf32, #tpu.memory_space<vmem>>, vector<64xf32>
    %broadcast_in_dim3A_65 = vector.shape_cast %get3A_64 : vector<64xf32> to vector<1x64xf32>
    %mul3A_66 = vector.broadcast %broadcast_in_dim3A_65 : vector<1x64xf32> to vector<10240x64xf32>
    %mul3A_67 = arith.mulf %div3A_62, %mul3A_66 : vector<10240x64xf32>
    %get3A_68 = arith.constant 0 : index
    %get3A_69 = vector.load %arg7[%get3A_68] : memref<64xf32, #tpu.memory_space<vmem>>, vector<64xf32>
    %broadcast_in_dim3A_70 = vector.shape_cast %get3A_69 : vector<64xf32> to vector<1x64xf32>
    %add3A_71 = vector.broadcast %broadcast_in_dim3A_70 : vector<1x64xf32> to vector<10240x64xf32>
    %add3A_72 = arith.addf %mul3A_67, %add3A_71 : vector<10240x64xf32>
    %max3A_73 = arith.constant 0.000000e+00 : f32
    %max3A_74 = vector.broadcast %max3A_73 : f32 to vector<10240x64xf32>
    %max3A_75 = arith.maximumf %add3A_72, %max3A_74 : vector<10240x64xf32>
    %mul3A_76 = vector.broadcast %convert_element_type3A_36 : vector<10240x1xf32> to vector<10240x64xf32>
    %mul3A_77 = arith.mulf %max3A_75, %mul3A_76 : vector<10240x64xf32>
    %swap3A = arith.constant 0 : index
    %swap3A_78 = arith.constant 0 : index
    %swap3A_79 = vector.load %arg8[%swap3A, %swap3A_78] : memref<10240x64xf32, #tpu.memory_space<vmem>>, vector<10240x64xf32>
    tpu.vector_store %arg8[%swap3A, %swap3A_78], %mul3A_77 {strides = array<i32>} : memref<10240x64xf32, #tpu.memory_space<vmem>>, vector<10240x64xf32>,
    return
  }
}

module attributes {stable_mosaic.version = 14 : i64} {
  func.func @_pool_body(%arg0: memref<10240x64xf32, #tpu.memory_space<vmem>>, %arg1: memref<10240xi32, #tpu.memory_space<vmem>>, %arg2: memref<32x64xf32, #tpu.memory_space<vmem>>, %arg3: memref<32xf32, #tpu.memory_space<vmem>>, %arg4: memref<2x32xf32, #tpu.memory_space<vmem>>, %arg5: memref<2xf32, #tpu.memory_space<vmem>>, %arg6: memref<64x2xf32, #tpu.memory_space<vmem>>) attributes {dimension_semantics = [], scalar_prefetch = 0 : i64, scratch_operands = 0 : i64, tpu.core_type = #tpu.core_type<tc>} {
    %get3A = arith.constant 0 : index
    %get3A_0 = vector.load %arg1[%get3A] : memref<10240xi32, #tpu.memory_space<vmem>>, vector<10240xi32>
    %broadcast_in_dim3A = vector.shape_cast %get3A_0 : vector<10240xi32> to vector<10240x1xi32>
    %iota3A = tpu.iota {dimensions = array<i32: 1>} : vector<1x64xi32>
    %eq3A = vector.broadcast %broadcast_in_dim3A : vector<10240x1xi32> to vector<10240x64xi32>
    %eq3A_1 = vector.broadcast %iota3A : vector<1x64xi32> to vector<10240x64xi32>
    %eq3A_2 = arith.cmpi eq, %eq3A, %eq3A_1 : vector<10240x64xi32>
    %convert_element_type3A = arith.extui %eq3A_2 : vector<10240x64xi1> to vector<10240x64xi32>
    %convert_element_type3A_3 = arith.sitofp %convert_element_type3A : vector<10240x64xi32> to vector<10240x64xf32>
    %get3A_4 = arith.constant 0 : index
    %get3A_5 = arith.constant 0 : index
    %get3A_6 = vector.load %arg0[%get3A_4, %get3A_5] : memref<10240x64xf32, #tpu.memory_space<vmem>>, vector<10240x64xf32>
    %dot_general3A = arith.constant dense<0.000000e+00> : vector<64x64xf32>
    %dot_general3A_7 = tpu.matmul %convert_element_type3A_3, %get3A_6, %dot_general3A {dimension_numbers = #tpu.dot_dimension_numbers<[0], [0], [1], [1], [0, 1, 1, 1], [], []>, precision = #tpu.contract_precision<fp32>, transpose_lhs_hint = false} : vector<10240x64xf32>, vector<10240x64xf32>, vector<64x64xf32> -> vector<64x64xf32>
    %reduce_sum3A = arith.constant dense<0.000000e+00> : vector<64xf32>
    %reduce_sum3A_8 = vector.multi_reduction <add>, %convert_element_type3A_3, %reduce_sum3A [0] : vector<10240x64xf32> to vector<64xf32>
    %broadcast_in_dim3A_9 = vector.shape_cast %reduce_sum3A_8 : vector<64xf32> to vector<64x1xf32>
    %max3A = arith.constant 1.000000e+00 : f32
    %max3A_10 = vector.broadcast %max3A : f32 to vector<64x1xf32>
    %max3A_11 = arith.maximumf %broadcast_in_dim3A_9, %max3A_10 : vector<64x1xf32>
    %div3A = vector.broadcast %max3A_11 : vector<64x1xf32> to vector<64x64xf32>
    %div3A_12 = arith.divf %dot_general3A_7, %div3A : vector<64x64xf32>
    %get3A_13 = arith.constant 0 : index
    %get3A_14 = arith.constant 0 : index
    %get3A_15 = vector.load %arg2[%get3A_13, %get3A_14] : memref<32x64xf32, #tpu.memory_space<vmem>>, vector<32x64xf32>
    %dot_general3A_16 = arith.constant dense<0.000000e+00> : vector<64x32xf32>
    %dot_general3A_17 = tpu.matmul %div3A_12, %get3A_15, %dot_general3A_16 {dimension_numbers = #tpu.dot_dimension_numbers<[1], [1], [0], [0], [0, 0, 1, 0], [], []>, transpose_lhs_hint = false} : vector<64x64xf32>, vector<32x64xf32>, vector<64x32xf32> -> vector<64x32xf32>
    %get3A_18 = arith.constant 0 : index
    %get3A_19 = vector.load %arg3[%get3A_18] : memref<32xf32, #tpu.memory_space<vmem>>, vector<32xf32>
    %broadcast_in_dim3A_20 = vector.shape_cast %get3A_19 : vector<32xf32> to vector<1x32xf32>
    %add3A = vector.broadcast %broadcast_in_dim3A_20 : vector<1x32xf32> to vector<64x32xf32>
    %add3A_21 = arith.addf %dot_general3A_17, %add3A : vector<64x32xf32>
    %max3A_22 = arith.constant 0.000000e+00 : f32
    %max3A_23 = vector.broadcast %max3A_22 : f32 to vector<64x32xf32>
    %max3A_24 = arith.maximumf %add3A_21, %max3A_23 : vector<64x32xf32>
    %get3A_25 = arith.constant 0 : index
    %get3A_26 = arith.constant 0 : index
    %get3A_27 = vector.load %arg4[%get3A_25, %get3A_26] : memref<2x32xf32, #tpu.memory_space<vmem>>, vector<2x32xf32>
    %dot_general3A_28 = arith.constant dense<0.000000e+00> : vector<64x2xf32>
    %dot_general3A_29 = tpu.matmul %max3A_24, %get3A_27, %dot_general3A_28 {dimension_numbers = #tpu.dot_dimension_numbers<[1], [1], [0], [0], [0, 0, 1, 0], [], []>, transpose_lhs_hint = false} : vector<64x32xf32>, vector<2x32xf32>, vector<64x2xf32> -> vector<64x2xf32>
    %get3A_30 = arith.constant 0 : index
    %get3A_31 = vector.load %arg5[%get3A_30] : memref<2xf32, #tpu.memory_space<vmem>>, vector<2xf32>
    %broadcast_in_dim3A_32 = vector.shape_cast %get3A_31 : vector<2xf32> to vector<1x2xf32>
    %add3A_33 = vector.broadcast %broadcast_in_dim3A_32 : vector<1x2xf32> to vector<64x2xf32>
    %add3A_34 = arith.addf %dot_general3A_29, %add3A_33 : vector<64x2xf32>
    %swap3A = arith.constant 0 : index
    %swap3A_35 = arith.constant 0 : index
    %swap3A_36 = vector.load %arg6[%swap3A, %swap3A_35] : memref<64x2xf32, #tpu.memory_space<vmem>>, vector<64x2xf32>
    tpu.vector_store %arg6[%swap3A, %swap3A_35], %add3A_34 {strides = array<i32>} : memref<64x2xf32, #tpu.memory_space<vmem>>, vector<64x2xf32>,
    return
  }
}

</mosaic_0001>

<sc_bundles>
// kernel: kernel.10.cloned.1.call-start
scs
__scs_entry_jumppad:
0x0: {  	(pc) =	sbr.rel $0x88, $3  }
0x1: {  	(tag) =	ssettag $0x0;
	lr =	simm.s32 $0x1  }
0x2: {  	[smem:$0x3F8B] =	sst lr;
	_ =	strace $0xD0000000  }
0x3: {  	_ = 	snop  }
0x4: {  	_ = 	snop  }
0x5: {  	_ = 	snop  }
0x6: {  	_ = 	snop  }
0x7: {  	_ = 	snop  }
__scs_overlays_trampoline_lowered:
0x8: {  	[smem:$0x3F9A] =	sst s0  }
0x9: {  	[smem:$0x3F9B] =	sst s1  }
0xa: {  	[smem:$0x3F9C] =	sst s2  }
0xb: {  	[smem:$0x3F9D] =	sst s3  }
0xc: {  	[smem:$0x3F9E] =	sst s4  }
0xd: {  	[smem:$0x3F9F] =	sst s5  }
0xe: {  	[smem:$0x3FA0] =	sst s6  }
0xf: {  	[smem:$0x3FA1] =	sst s7  }
0x10: {  	[smem:$0x3FA2] =	sst s8  }
0x11: {  	[smem:$0x3FA3] =	sst s9;
	s0 =	simm.s32 @!p0 $0x0  }
0x12: {  	s1 =	sld [smem:$0x3F89];
	s0 =	simm.s32 @p0 $0x1  }
0x13: {  	[smem:$0x3FA4] =	sst s0;
	s0 =	simm.s32 @!p1 $0x0  }
0x14: {  	s2 =	sld [smem:$0x3F88];
	s0 =	simm.s32 @p1 $0x1  }
0x15: {  	[smem:$0x3FA5] =	sst s0;
	s0 =	simm.s32 @!p2 $0x0  }
0x16: {  	s3 =	sld [smem:$0x3FDB];
	s0 =	simm.s32 @p2 $0x1  }
0x17: {  	s4 =	simm.s32 $0x1BF5;
	[smem:$0x3FA7] =	sst s0  }
0x18: {  	s0 =	sld [smem:$0x3F8A];
	_ =	swait.ge [sflag:s4], $0x0  }
0x19: {  	s7 =	sld [smem:$0x3F8B]  }
0x1a: {  	s8 =	sadd.s32 $0xFFFFE003, lr  }
0x1b: {  	s9 =	sadd.s32 $0xFFFFFEF7, lr;
	s5 =	simm.s32 $0xFFFFFFFF;
	p2 =	slt.u32 s8, $0xFFFFF086  }
0x1c: {  	p1 =	slt.u32 s9, $0xF7A;
	s5 =	simm.s32 @!p2 $0x0  }
0x1d: {  	s5 =	simm.s32 @p1 $0x1;
	p0 =	seq.s32 s7, s2  }
0x1e: {  	s7 =	smul.u32 @!p0 $0xF7A, s2;
	p2 =	seq.s32 @!p0 s5, $0x0  }
0x1f: {  	s9 =	smul.u32 $0xF7A, s1;
	s8 =	simm.s32 @!p0 $0x1BF5;
	p2 =	por !p2, p0  }
0x20: {  	[sflag:s8] =	ssyncset.s32 @!p0 $0xFFFFF086;
	s6 =	sadd.s32 @!p0 s3, s7;
	s7 =	simm.s32 @!p0 $0x108  }
0x21: {  	s3 =	sadd.s32 s3, s9;
	s6 =	sadd.s32 @!p0 $0x88, s6;
	s7 =	simm.s32 @p2 $0x1082  }
0x22: {  	[simem:s7], [sflag:s8] =	dma.local @!p0 [hbm:s6], $0xF7A  }
0x23: {  	s9 =	sor.u32 $0xD0000000, s2;
	s6 =	simm.s32 $0x108;
	_ =	swait.ge @!p0 [sflag:s8], $0x0  }
0x24: {  	s3 =	sadd.s32 $0x88, s3;
	s6 =	simm.s32 @!p1 $0x1082;
	[sflag:s4] =	ssyncset.s32 $0xFFFFF086  }
0x25: {  	[simem:s6], [sflag:s4] =	dma.local [hbm:s3], $0xF7A  }
0x26: {  	[smem:$0x3F8B] =	sst s1;
	(tag) =	ssettag s2;
	_ =	strace s9  }
0x27: {  	s1 =	sld [smem:$0x3F9B]  }
0x28: {  	s2 =	sld [smem:$0x3F9C]  }
0x29: {  	s4 =	sld [smem:$0x3F9E]  }
0x2a: {  	p0 =	seq.s32 s5, $0x0;
	s5 =	sld [smem:$0x3F9F]  }
0x2b: {  	s6 =	sld [smem:$0x3FA0]  }
0x2c: {  	s7 =	sld [smem:$0x3FA1]  }
0x2d: {  	s3 =	simm.s32 $0x108;
	s8 =	sld [smem:$0x3FA2]  }
0x2e: {  	s3 =	simm.s32 @!p0 $0x1082;
	s9 =	sld [smem:$0x3FA3]  }
0x2f: {  	lr =	sadd.s32 s0, s3;
	s0 =	sld [smem:$0x3F9A]  }
0x30: {  	s3 =	sld [smem:$0x3F9D]  }
0x31: {  	[smem:$0x3FA6] =	sst s10  }
0x32: {  	s10 =	sld [smem:$0x3FA4];
	_ =	sdelay $0x3  }
0x33: {  	p0 =	seq.s32 s10, $0x1;
	s10 =	sld [smem:$0x3FA6];
	_ =	sdelay $0x3  }
0x34: {  	[smem:$0x3FA6] =	sst s10  }
0x35: {  	s10 =	sld [smem:$0x3FA5];
	_ =	sdelay $0x3  }
0x36: {  	p1 =	seq.s32 s10, $0x1;
	s10 =	sld [smem:$0x3FA6];
	_ =	sdelay $0x3  }
0x37: {  	[smem:$0x3FA6] =	sst s10  }
0x38: {  	s10 =	sld [smem:$0x3FA7]  }
0x39: {  	_ = 	snop;
	(pc) =	sbr.ind lr, $3  }
0x3a: {  	_ = 	snop  }
0x3b: {  	_ = 	snop  }
0x3c: {  	p2 =	seq.s32 s10, $0x1;
	s10 =	sld [smem:$0x3FA6]  }
0x3d: {  	_ =	shalt  }
0x3e: {  	_ =	shalt  }
0x3f: {  	_ =	shalt  }
0x40: {  	_ =	shalt  }
0x41: {  	_ =	shalt  }
0x42: {  	_ =	shalt  }
0x43: {  	_ =	shalt  }
0x44: {  	_ =	shalt  }
0x45: {  	_ =	shalt  }
0x46: {  	_ =	shalt  }
0x47: {  	_ =	shalt  }
0x48: {  	_ =	shalt  }
0x49: {  	_ =	shalt  }
0x4a: {  	_ =	shalt  }
0x4b: {  	_ =	shalt  }
0x4c: {  	_ =	shalt  }
0x4d: {  	_ =	shalt  }
0x4e: {  	_ =	shalt  }
0x4f: {  	_ =	shalt  }
0x50: {  	_ =	shalt  }
0x51: {  	_ =	shalt  }
0x52: {  	_ =	shalt  }
0x53: {  	_ =	shalt  }
0x54: {  	_ =	shalt  }
0x55: {  	_ =	shalt  }
0x56: {  	_ =	shalt  }
0x57: {  	_ =	shalt  }
0x58: {  	_ =	shalt  }
0x59: {  	_ =	shalt  }
0x5a: {  	_ =	shalt  }
0x5b: {  	_ =	shalt  }
0x5c: {  	_ =	shalt  }
0x5d: {  	_ =	shalt  }
0x5e: {  	_ =	shalt  }
0x5f: {  	_ =	shalt  }
0x60: {  	_ =	shalt  }
0x61: {  	_ =	shalt  }
0x62: {  	_ =	shalt  }
0x63: {  	_ =	shalt  }
0x64: {  	_ =	shalt  }
0x65: {  	_ =	shalt  }
0x66: {  	_ =	shalt  }
0x67: {  	_ =	shalt  }
0x68: {  	_ =	shalt  }
0x69: {  	_ =	shalt  }
0x6a: {  	_ =	shalt  }
0x6b: {  	_ =	shalt  }
0x6c: {  	_ =	shalt  }
0x6d: {  	_ =	shalt  }
0x6e: {  	_ =	shalt  }
0x6f: {  	_ =	shalt  }
0x70: {  	_ =	shalt  }
0x71: {  	_ =	shalt  }
0x72: {  	_ =	shalt  }
0x73: {  	_ =	shalt  }
0x74: {  	_ =	shalt  }
0x75: {  	_ =	shalt  }
0x76: {  	_ =	shalt  }
0x77: {  	_ =	shalt  }
0x78: {  	_ =	shalt  }
0x79: {  	_ =	shalt  }
0x7a: {  	_ =	shalt  }
0x7b: {  	_ =	shalt  }
0x7c: {  	_ =	shalt  }
0x7d: {  	_ =	shalt  }
0x7e: {  	_ =	shalt  }
0x7f: {  	_ =	shalt  }
0x80: {  	_ =	shalt  }
0x81: {  	_ =	shalt  }
0x82: {  	_ =	shalt  }
0x83: {  	_ =	shalt  }
0x84: {  	_ =	shalt  }
0x85: {  	_ =	shalt  }
0x86: {  	_ =	shalt  }
0x87: {  	_ =	shalt  }
.Lfunc_end0:
.L_simem_size_0:
called_computation_lowered:
.L_overlay_start_0:
0x88: {  	s2 =	sld [smem:$0x3FD9]  }
0x89: {  	s3 =	sld [smem:$0x3FFE];
	_ =	sdelay $0x1  }
0x8a: {  	s1 =	srdreg.scid  }
0x8b: {  	s0 =	sand.u32 $0x1, s1  }
0x8c: {  	s16 =	sshll.u32 s0, $0xA;
	s2 =	sadd.s32 s3, s2  }
0x8d: {  	s2 =	sadd.s32 s2, s16  }
0x8e: {  	[smem:$0x3FB2] =	sst s2  }
0x8f: {  	_ = 	snop  }
0x90: {  	(tm) =	ssettm $0x1  }
0x91: {  	s17 =	sld [smem:$0x3FFB];
	_ =	sdelay $0x3  }
0x92: {  	_ =	strace s17  }
0x93: {  	s2 =	sld [smem:$0x3FFC];
	_ =	sdelay $0x3  }
0x94: {  	_ =	strace s2  }
0x95: {  	s2 =	sld [smem:$0x3FFD];
	_ =	sdelay $0x3  }
0x96: {  	_ =	strace s2  }
0x97: {  	_ =	strace $0x8FFFFFFF  }
0x98: {  	s18 =	sld [smem:$0x3FDB];
	_ =	sdelay $0x1  }
0x99: {  	s19 =	simm.s32 $_scs_section_size  }
0x9a: {  	s4 =	simm.s32 $_size__tile_overlayer_lowered;
	s5 =	simm.s32 $_tile_overlayer_lowered  }
0x9b: {  	s22 =	simm.s32 $0x1BFF;
	s21 =	sshll.u32 s5, $0x1;
	s2 =	sadd.s32 s19, s18  }
0x9c: {  	s6 =	simm.s32 $0x0;
	s20 =	sshll.u32 s4, $0x1;
	s4 =	sadd.s32 s21, s2  }
0x9d: {  	[timem:s6], [sflag:s22] =	dma.local [hbm:s4], s20  }
0x9e: {  	_ =	swait.ge [sflag:s22], s20  }
0x9f: {  	s3 =	ssub.s32 $0x0, s20;
	[sflag:s22] =	ssyncset.done $0x0  }
0xa0: {  	[sflag:s22] =	ssyncadd.s32 s3;
	_ =	sdelay $0x1  }
0xa1: {  	s23 =	simm.s32 $0x1B8B  }
0xa2: {  	_ =	swait.ge [sflag:s23], $0x1  }
0xa3: {  	[sflag:s23] =	ssyncset.done $0x0  }
0xa4: {  	s25 =	simm.s32 $0x1B8E;
	s24 =	sld [smem:$0x3FFE];
	[sflag:s23] =	ssyncadd.s32 $0xFFFFFFFF  }
0xa5: {  	s26 =	simm.s32 $execute0_lowered;
	[smem:$0x3FD2] =	sst s25  }
0xa6: {  	s4 =	sshll.u32 s26, $0x1;
	_ =	strace $0x80000046;
	[dreg:$0x1] =	wrdreg $0xFFFFFFFF  }
0xa7: {  	s28 =	simm.s32 $_size_execute0_lowered;
	s2 =	sadd.s32 s2, s4;
	[dreg:$0x0] =	wrdreg $0x0  }
0xa8: {  	s4 =	sshll.u32 s28, $0x1;
	[dreg:$0x2] =	wrdreg s2  }
0xa9: {  	[dreg:$0x3] =	wrdreg s4  }
0xaa: {  	[dreg:$0x4] =	wrdreg $0xC0  }
0xab: {  	_ =	task [dreg:s6], $0x5FFFF  }
0xac: {  	[dreg:$0x1] =	wrdreg $0xFFFFFFFF  }
0xad: {  	[dreg:$0x0] =	wrdreg $0x60  }
0xae: {  	[dreg:$0x2] =	wrdreg s24  }
0xaf: {  	[dreg:$0x3] =	wrdreg $0x9  }
0xb0: {  	_ =	task.clear_ibuf [dreg:s6], $0x4FFFF;
	_ =	strace $0x90000046  }
0xb1: {  	s29 =	simm.s32 $0x9;
	_ =	strace $0x80000048  }
0xb2: {  	_ =	swait.ge [sflag:s29], $0x1  }
0xb3: {  	[sflag:s29] =	ssyncadd.s32 $0xFFFFFFFF  }
0xb4: {  	_ =	strace $0x90000048  }
0xb5: {  	_ =	sfence  }
0xb6: {  	s30 =	sld [smem:$0x0];
	_ =	sdelay $0x2  }
0xb7: {  	s31 =	sshll.u32 s1, $0xD;
	s1 =	sshrl.u32 s1, $0x2  }
0xb8: {  	s3 =	sand.u32 $0x4000, s31;
	s1 =	sadd.s32 s1, s30  }
0xb9: {  	s0 =	sor.u32 s3, s0;
	s1 =	sshll.u32 s1, $0x11  }
0xba: {  	s0 =	sor.u32 s1, s0  }
0xbb: {  	s0 =	sadd.s32 $0x8F2B, s0  }
0xbc: {  	[sflag:s0] =	ssyncadd.remote.s32 $0x1  }
0xbd: {  	_ =	sfence.sel $0xFFFF  }
0xbe: {  	[dreg:$0x0] =	wrdreg $0xFFFFFFFF;
	(pc) =	sbr.abs _section_cstart, $3  }
0xbf: {  	[dreg:$0x1] =	wrdreg $0xFFFFFFFF  }
0xc0: {  	_ =	task.clear_ibuf [dreg:s6], $0x2FFFF;
	_ =	strace $0x9FFFFFFF  }
0xc1: {  	(tm) =	ssettm $0x7FFFFFFF  }
tec
execute0_lowered:
.L_overlay_start_1:
0x0: {  	(tag) =	ssettag $0x1  }
0x1: {  	s0 =	stileid.u32  }
0x2: {  	s1 =	srdreg.scid;
	s4 =	rddreg [dreg:$0x0];
	s2 =	simm.s32 $0x0  }
0x3: {  	s3 =	sand.u32 $0x1, s1;
	s30 =	sshll.u32 s0, $0x1;
	s1 =	rddreg [dreg:$0x1]  }
0x4: {  	s5 =	smul.u32 $0x9E0, s0;
	[smem:$0x7FF] =	sst s2;
	s6 =	sor.u32 s3, s30  }
0x5: {  	s7 =	ssub.s32 $0x2, s3;
	s3 =	smul.u32 $0x4F0, s3;
	_ =	strace $0x80000047  }
0x6: {  	s6 =	smul.u32 $0x500, s6;
	s5 =	sadd.s32 s5, s4;
	s8 =	sshrl.u32 s7, $0x1  }
0x7: {  	s31 =	ssub.s32 s7, s8;
	s5 =	sadd.s32 s3, s5;
	s7 =	simm.s32 $0x1  }
0x8: {  	s8 =	simm.s32 $0x0;
	s4 =	sadd.s32 s6, s4;
	s5 =	sadd.s32 $0x1E00, s5  }
0x9: {  	v0 =	vimm.f32 $0.0e+00;
	v1 =	vimm.f32 $1.000000000e+00;
	s6 =	simm.s32 $0x2800;
	s3 =	sadd.s32 $0xBC00, s4;
	s4 =	smax.u32 s31, $0x1  }
.LBB2_1:
0xa: {  	s9 =	simm.s32 $0x0  }
.LBB2_2:
0xb: {  	p0 =	sne.s32 s9, $0x9FC0  }
.Ltmp0:
0xc: {  	_ = 	snop;
	(pc) =	sbr.rel @p0 .LBB2_2-.Ltmp0, $3  }
0xd: {  	_ =	sdelay $0x1  }
0xe: {  	s10 =	sshra.s32 s9, $0x2  }
0xf: {  	s9 =	sadd.s32 $0x40, s9;
	[tilespmem:s10+$0x0] =	vst v0  }
0x10: {  	s9 =	simm.s32 $0x0  }
.LBB2_4:
0x11: {  	s10 =	sadd.s32 s9, s5  }
0x12: {  	[tilespmem:s6], [sflag:$0x1] =	stream.linear.gather [hbm4b:s10+s2], $0x80, $0x38;
	[tilespmem:$0x2880] =	vst v63  }
0x13: {  	_ =	swait.ge [sflag:s7], $0x80  }
0x14: {  	[sflag:s7] =	ssyncset.done $0x0  }
0x15: {  	[sflag:s7] =	ssyncadd.s32 $0xFFFFFF80  }
0x16: {  	v2 =	vld [tilespmem:$0x2800];
	_ =	sdelay $0x7  }
0x17: {  	[tilespmem:v2+s2+$0x0] =	vst.idx.add.f32.msk $0xffff, v1  }
0x18: {  	v2 =	vld [tilespmem:$0x2810];
	_ =	sdelay $0x7  }
0x19: {  	[tilespmem:v2+s2+$0x0] =	vst.idx.add.f32.msk $0xffff, v1  }
0x1a: {  	v2 =	vld [tilespmem:$0x2820];
	_ =	sdelay $0x7  }
0x1b: {  	[tilespmem:v2+s2+$0x0] =	vst.idx.add.f32.msk $0xffff, v1  }
0x1c: {  	v2 =	vld [tilespmem:$0x2830];
	_ =	sdelay $0x7  }
0x1d: {  	[tilespmem:v2+s2+$0x0] =	vst.idx.add.f32.msk $0xffff, v1  }
0x1e: {  	v2 =	vld [tilespmem:$0x2840];
	_ =	sdelay $0x7  }
0x1f: {  	[tilespmem:v2+s2+$0x0] =	vst.idx.add.f32.msk $0xffff, v1  }
0x20: {  	v2 =	vld [tilespmem:$0x2850];
	_ =	sdelay $0x7  }
0x21: {  	[tilespmem:v2+s2+$0x0] =	vst.idx.add.f32.msk $0xffff, v1  }
0x22: {  	v2 =	vld [tilespmem:$0x2860];
	_ =	sdelay $0x7  }
0x23: {  	[tilespmem:v2+s2+$0x0] =	vst.idx.add.f32.msk $0xffff, v1  }
0x24: {  	v2 =	vld [tilespmem:$0x2870];
	_ =	sdelay $0x2  }
0x25: {  	p0 =	sne.s32 s9, $0x4E0  }
.Ltmp1:
0x26: {  	_ = 	snop;
	(pc) =	sbr.rel @p0 .LBB2_4-.Ltmp1, $2  }
0x27: {  	_ =	sdelay $0x2  }
0x28: {  	s9 =	sadd.s32 $0x10, s9;
	[tilespmem:v2+s2+$0x0] =	vst.idx.add.f32.msk $0xffff, v1  }
0x29: {  	s8 =	sadd.s32 $0x1, s8  }
0x2a: {  	p0 =	sne.s32 s8, s4  }
.Ltmp2:
0x2b: {  	_ = 	snop;
	(pc) =	sbr.rel @p0 .LBB2_1-.Ltmp2, $4  }
0x2c: {  	[hbm4b:s3+s2] =	stream.linear.scatter [tilespmem:s2], [sflag:$0x1], $0x2800, $0x38;
	[tilespmem:$0x2880] =	vst v63  }
0x2d: {  	_ =	swait.ge [sflag:s7], $0x2800  }
0x2e: {  	[sflag:s7] =	ssyncset.done $0x0  }
0x2f: {  	[sflag:s7] =	ssyncadd.s32 $0xFFFFD800  }
0x30: {  	_ =	sfence.sel $0x180000  }
0x31: {  	[bflag:$0x0] =	sbarrier.arrive $0xFFFF  }
0x32: {  	p0 =	sne.s32 s0, $0x0;
	_ =	strace $0x90000047  }
0x33: {  	s0 =	sadd.s32 @!p0 $0x100000, s1;
	[bflag:$0x2] =	sbarrier.arrive $0xFFFF  }
0x34: {  	[sflag:s0] =	ssyncadd.tile.s32 @!p0 $0x1;
	_ =	shalt  }
.Lfunc_end2:
_tile_overlayer_lowered:
.L_overlay_start_2:
0x35: {  	(tag) =	ssettag $0x2  }
0x36: {  	s0 =	rddreg [dreg:$0x0];
	s2 =	stileid.u32  }
0x37: {  	s1 =	rddreg [dreg:$0x1];
	p0 =	sne.s32 s2, $0x0  }
0x38: {  	s3 =	rddreg [dreg:$0x2];
	[bflag:$0x3] =	sbarrier.arrive $0xFFFF;
	s2 =	simm.s32 @!p0 $0x1C01  }
0x39: {  	[timem:s3], [sflag:s2] =	dma.local @!p0 [hbm:s0], s1  }
0x3a: {  	s0 =	simm.s32 @!p0 $0x1  }
0x3b: {  	_ =	swait.ge @!p0 [sflag:s0], s1  }
0x3c: {  	s1 =	ssub.s32 @!p0 $0x0, s1;
	[sflag:s0] =	ssyncset.done @!p0 $0x0  }
0x3d: {  	[sflag:s0] =	ssyncadd.s32 @!p0 s1  }
0x3e: {  	[bflag:$0x3] =	sbarrier.arrive $0xFFFF  }
0x3f: {  	_ =	shalt  }

// kernel: kernel.13.cloned.1.call-start
scs
__scs_entry_jumppad:
0x0: {  	(pc) =	sbr.rel $0x88, $3  }
0x1: {  	(tag) =	ssettag $0x0;
	lr =	simm.s32 $0x1  }
0x2: {  	[smem:$0x3F8B] =	sst lr;
	_ =	strace $0xD0000000  }
0x3: {  	_ = 	snop  }
0x4: {  	_ = 	snop  }
0x5: {  	_ = 	snop  }
0x6: {  	_ = 	snop  }
0x7: {  	_ = 	snop  }
__scs_overlays_trampoline_lowered:
0x8: {  	[smem:$0x3F9A] =	sst s0  }
0x9: {  	[smem:$0x3F9B] =	sst s1  }
0xa: {  	[smem:$0x3F9C] =	sst s2  }
0xb: {  	[smem:$0x3F9D] =	sst s3  }
0xc: {  	[smem:$0x3F9E] =	sst s4  }
0xd: {  	[smem:$0x3F9F] =	sst s5  }
0xe: {  	[smem:$0x3FA0] =	sst s6  }
0xf: {  	[smem:$0x3FA1] =	sst s7  }
0x10: {  	[smem:$0x3FA2] =	sst s8  }
0x11: {  	[smem:$0x3FA3] =	sst s9;
	s0 =	simm.s32 @!p0 $0x0  }
0x12: {  	s1 =	sld [smem:$0x3F89];
	s0 =	simm.s32 @p0 $0x1  }
0x13: {  	[smem:$0x3FA4] =	sst s0;
	s0 =	simm.s32 @!p1 $0x0  }
0x14: {  	s2 =	sld [smem:$0x3F88];
	s0 =	simm.s32 @p1 $0x1  }
0x15: {  	[smem:$0x3FA5] =	sst s0;
	s0 =	simm.s32 @!p2 $0x0  }
0x16: {  	s3 =	sld [smem:$0x3FDB];
	s0 =	simm.s32 @p2 $0x1  }
0x17: {  	s4 =	simm.s32 $0x1BF5;
	[smem:$0x3FA7] =	sst s0  }
0x18: {  	s0 =	sld [smem:$0x3F8A];
	_ =	swait.ge [sflag:s4], $0x0  }
0x19: {  	s7 =	sld [smem:$0x3F8B]  }
0x1a: {  	s8 =	sadd.s32 $0xFFFFE003, lr  }
0x1b: {  	s9 =	sadd.s32 $0xFFFFFEF7, lr;
	s5 =	simm.s32 $0xFFFFFFFF;
	p2 =	slt.u32 s8, $0xFFFFF086  }
0x1c: {  	p1 =	slt.u32 s9, $0xF7A;
	s5 =	simm.s32 @!p2 $0x0  }
0x1d: {  	s5 =	simm.s32 @p1 $0x1;
	p0 =	seq.s32 s7, s2  }
0x1e: {  	s7 =	smul.u32 @!p0 $0xF7A, s2;
	p2 =	seq.s32 @!p0 s5, $0x0  }
0x1f: {  	s9 =	smul.u32 $0xF7A, s1;
	s8 =	simm.s32 @!p0 $0x1BF5;
	p2 =	por !p2, p0  }
0x20: {  	[sflag:s8] =	ssyncset.s32 @!p0 $0xFFFFF086;
	s6 =	sadd.s32 @!p0 s3, s7;
	s7 =	simm.s32 @!p0 $0x108  }
0x21: {  	s3 =	sadd.s32 s3, s9;
	s6 =	sadd.s32 @!p0 $0x88, s6;
	s7 =	simm.s32 @p2 $0x1082  }
0x22: {  	[simem:s7], [sflag:s8] =	dma.local @!p0 [hbm:s6], $0xF7A  }
0x23: {  	s9 =	sor.u32 $0xD0000000, s2;
	s6 =	simm.s32 $0x108;
	_ =	swait.ge @!p0 [sflag:s8], $0x0  }
0x24: {  	s3 =	sadd.s32 $0x88, s3;
	s6 =	simm.s32 @!p1 $0x1082;
	[sflag:s4] =	ssyncset.s32 $0xFFFFF086  }
0x25: {  	[simem:s6], [sflag:s4] =	dma.local [hbm:s3], $0xF7A  }
0x26: {  	[smem:$0x3F8B] =	sst s1;
	(tag) =	ssettag s2;
	_ =	strace s9  }
0x27: {  	s1 =	sld [smem:$0x3F9B]  }
0x28: {  	s2 =	sld [smem:$0x3F9C]  }
0x29: {  	s4 =	sld [smem:$0x3F9E]  }
0x2a: {  	p0 =	seq.s32 s5, $0x0;
	s5 =	sld [smem:$0x3F9F]  }
0x2b: {  	s6 =	sld [smem:$0x3FA0]  }
0x2c: {  	s7 =	sld [smem:$0x3FA1]  }
0x2d: {  	s3 =	simm.s32 $0x108;
	s8 =	sld [smem:$0x3FA2]  }
0x2e: {  	s3 =	simm.s32 @!p0 $0x1082;
	s9 =	sld [smem:$0x3FA3]  }
0x2f: {  	lr =	sadd.s32 s0, s3;
	s0 =	sld [smem:$0x3F9A]  }
0x30: {  	s3 =	sld [smem:$0x3F9D]  }
0x31: {  	[smem:$0x3FA6] =	sst s10  }
0x32: {  	s10 =	sld [smem:$0x3FA4];
	_ =	sdelay $0x3  }
0x33: {  	p0 =	seq.s32 s10, $0x1;
	s10 =	sld [smem:$0x3FA6];
	_ =	sdelay $0x3  }
0x34: {  	[smem:$0x3FA6] =	sst s10  }
0x35: {  	s10 =	sld [smem:$0x3FA5];
	_ =	sdelay $0x3  }
0x36: {  	p1 =	seq.s32 s10, $0x1;
	s10 =	sld [smem:$0x3FA6];
	_ =	sdelay $0x3  }
0x37: {  	[smem:$0x3FA6] =	sst s10  }
0x38: {  	s10 =	sld [smem:$0x3FA7]  }
0x39: {  	_ = 	snop;
	(pc) =	sbr.ind lr, $3  }
0x3a: {  	_ = 	snop  }
0x3b: {  	_ = 	snop  }
0x3c: {  	p2 =	seq.s32 s10, $0x1;
	s10 =	sld [smem:$0x3FA6]  }
0x3d: {  	_ =	shalt  }
0x3e: {  	_ =	shalt  }
0x3f: {  	_ =	shalt  }
0x40: {  	_ =	shalt  }
0x41: {  	_ =	shalt  }
0x42: {  	_ =	shalt  }
0x43: {  	_ =	shalt  }
0x44: {  	_ =	shalt  }
0x45: {  	_ =	shalt  }
0x46: {  	_ =	shalt  }
0x47: {  	_ =	shalt  }
0x48: {  	_ =	shalt  }
0x49: {  	_ =	shalt  }
0x4a: {  	_ =	shalt  }
0x4b: {  	_ =	shalt  }
0x4c: {  	_ =	shalt  }
0x4d: {  	_ =	shalt  }
0x4e: {  	_ =	shalt  }
0x4f: {  	_ =	shalt  }
0x50: {  	_ =	shalt  }
0x51: {  	_ =	shalt  }
0x52: {  	_ =	shalt  }
0x53: {  	_ =	shalt  }
0x54: {  	_ =	shalt  }
0x55: {  	_ =	shalt  }
0x56: {  	_ =	shalt  }
0x57: {  	_ =	shalt  }
0x58: {  	_ =	shalt  }
0x59: {  	_ =	shalt  }
0x5a: {  	_ =	shalt  }
0x5b: {  	_ =	shalt  }
0x5c: {  	_ =	shalt  }
0x5d: {  	_ =	shalt  }
0x5e: {  	_ =	shalt  }
0x5f: {  	_ =	shalt  }
0x60: {  	_ =	shalt  }
0x61: {  	_ =	shalt  }
0x62: {  	_ =	shalt  }
0x63: {  	_ =	shalt  }
0x64: {  	_ =	shalt  }
0x65: {  	_ =	shalt  }
0x66: {  	_ =	shalt  }
0x67: {  	_ =	shalt  }
0x68: {  	_ =	shalt  }
0x69: {  	_ =	shalt  }
0x6a: {  	_ =	shalt  }
0x6b: {  	_ =	shalt  }
0x6c: {  	_ =	shalt  }
0x6d: {  	_ =	shalt  }
0x6e: {  	_ =	shalt  }
0x6f: {  	_ =	shalt  }
0x70: {  	_ =	shalt  }
0x71: {  	_ =	shalt  }
0x72: {  	_ =	shalt  }
0x73: {  	_ =	shalt  }
0x74: {  	_ =	shalt  }
0x75: {  	_ =	shalt  }
0x76: {  	_ =	shalt  }
0x77: {  	_ =	shalt  }
0x78: {  	_ =	shalt  }
0x79: {  	_ =	shalt  }
0x7a: {  	_ =	shalt  }
0x7b: {  	_ =	shalt  }
0x7c: {  	_ =	shalt  }
0x7d: {  	_ =	shalt  }
0x7e: {  	_ =	shalt  }
0x7f: {  	_ =	shalt  }
0x80: {  	_ =	shalt  }
0x81: {  	_ =	shalt  }
0x82: {  	_ =	shalt  }
0x83: {  	_ =	shalt  }
0x84: {  	_ =	shalt  }
0x85: {  	_ =	shalt  }
0x86: {  	_ =	shalt  }
0x87: {  	_ =	shalt  }
.Lfunc_end0:
.L_simem_size_0:
called_computation.1_lowered:
.L_overlay_start_0:
0x88: {  	s2 =	sld [smem:$0x3FD9]  }
0x89: {  	s3 =	sld [smem:$0x3FFE];
	_ =	sdelay $0x1  }
0x8a: {  	s1 =	srdreg.scid  }
0x8b: {  	s0 =	sand.u32 $0x1, s1  }
0x8c: {  	s17 =	sshll.u32 s0, $0xA;
	s2 =	sadd.s32 s3, s2  }
0x8d: {  	s2 =	sadd.s32 s2, s17  }
0x8e: {  	[smem:$0x3FB2] =	sst s2  }
0x8f: {  	_ = 	snop  }
0x90: {  	(tm) =	ssettm $0x1  }
0x91: {  	s18 =	sld [smem:$0x3FFB];
	_ =	sdelay $0x3  }
0x92: {  	_ =	strace s18  }
0x93: {  	s2 =	sld [smem:$0x3FFC];
	_ =	sdelay $0x3  }
0x94: {  	_ =	strace s2  }
0x95: {  	s2 =	sld [smem:$0x3FFD];
	_ =	sdelay $0x3  }
0x96: {  	_ =	strace s2  }
0x97: {  	_ =	strace $0x8FFFFFFF  }
0x98: {  	s19 =	sld [smem:$0x3FDB];
	_ =	sdelay $0x1  }
0x99: {  	s20 =	simm.s32 $_scs_section_size  }
0x9a: {  	s4 =	simm.s32 $_size__tile_overlayer_lowered;
	s5 =	simm.s32 $_tile_overlayer_lowered  }
0x9b: {  	s6 =	simm.s32 $0x1BFF;
	s21 =	sshll.u32 s5, $0x1;
	s3 =	sadd.s32 s20, s19  }
0x9c: {  	s22 =	simm.s32 $0x0;
	s4 =	sshll.u32 s4, $0x1;
	s5 =	sadd.s32 s21, s3  }
0x9d: {  	[timem:s22], [sflag:s6] =	dma.local [hbm:s5], s4  }
0x9e: {  	_ =	swait.ge [sflag:s6], s4  }
0x9f: {  	s4 =	ssub.s32 $0x0, s4;
	[sflag:s6] =	ssyncset.done $0x0  }
0xa0: {  	[sflag:s6] =	ssyncadd.s32 s4;
	_ =	sdelay $0x1  }
0xa1: {  	s23 =	simm.s32 $0x1B8B  }
0xa2: {  	_ =	swait.ge [sflag:s23], $0x1  }
0xa3: {  	[sflag:s23] =	ssyncset.done $0x0  }
0xa4: {  	[sflag:s23] =	ssyncadd.s32 $0xFFFFFFFF  }
0xa5: {  	s4 =	sld [smem:$0x0]  }
0xa6: {  	s5 =	sand.u32 $0xFFFFFFFE, s1  }
0xa7: {  	p0 =	sne.s32 s1, s5  }
0xa8: {  	s5 =	sshll.u32 @p0 s5, $0xE  }
0xa9: {  	s5 =	sadd.s32 @p0 $0x11B8D, s5;
	s6 =	sshll.u32 @p0 s4, $0x11  }
0xaa: {  	s5 =	sor.u32 @p0 s6, s5  }
0xab: {  	[sflag:s5] =	ssyncadd.remote.s32 @p0 $0x1;
	_ =	sdelay $0x1  }
0xac: {  	s5 =	simm.s32 @p0 $0x1B8D  }
0xad: {  	_ =	swait.eq @p0 [sflag:s5], $0x1  }
0xae: {  	[sflag:s5] =	ssyncadd.s32 @p0 $0xFFFFFFFF  }
0xaf: {  	s6 =	sshll.u32 @!p0 s1, $0xE  }
0xb0: {  	s6 =	sor.u32 @!p0 $0x4000, s6;
	s5 =	simm.s32 @!p0 $0x1B8D  }
0xb1: {  	s4 =	sshll.u32 @!p0 s4, $0x11;
	s6 =	sadd.s32 @!p0 $0x11B8D, s6;
	_ =	swait.eq @!p0 [sflag:s5], $0x1  }
0xb2: {  	s4 =	sor.u32 @!p0 s4, s6;
	[sflag:s5] =	ssyncadd.s32 @!p0 $0xFFFFFFFF  }
0xb3: {  	s25 =	simm.s32 $0x1B8E;
	s24 =	sld [smem:$0x3FFE];
	[sflag:s4] =	ssyncadd.remote.s32 @!p0 $0x1  }
0xb4: {  	s26 =	simm.s32 $execute0_lowered;
	[smem:$0x3FD2] =	sst s25  }
0xb5: {  	s5 =	sshll.u32 s26, $0x1;
	_ =	strace $0x80000049;
	[dreg:$0x1] =	wrdreg $0xFFFFFFFF  }
0xb6: {  	s28 =	simm.s32 $_size_execute0_lowered;
	s3 =	sadd.s32 s3, s5;
	[dreg:$0x0] =	wrdreg $0x0  }
0xb7: {  	s5 =	sshll.u32 s28, $0x1;
	[dreg:$0x2] =	wrdreg s3  }
0xb8: {  	[dreg:$0x3] =	wrdreg s5  }
0xb9: {  	[dreg:$0x4] =	wrdreg $0xC0  }
0xba: {  	_ =	task [dreg:s22], $0x5FFFF  }
0xbb: {  	[dreg:$0x1] =	wrdreg $0xFFFFFFFF  }
0xbc: {  	[dreg:$0x0] =	wrdreg $0x60  }
0xbd: {  	[dreg:$0x2] =	wrdreg s24  }
0xbe: {  	[dreg:$0x3] =	wrdreg $0x0  }
0xbf: {  	[dreg:$0x4] =	wrdreg $0xA  }
0xc0: {  	_ =	task.clear_ibuf [dreg:s22], $0x5FFFF;
	_ =	strace $0x90000049  }
0xc1: {  	s29 =	simm.s32 $0xA;
	_ =	strace $0x8000004B  }
0xc2: {  	_ =	swait.ge [sflag:s29], $0x1  }
0xc3: {  	[sflag:s29] =	ssyncadd.s32 $0xFFFFFFFF  }
0xc4: {  	_ =	strace $0x9000004B  }
0xc5: {  	_ =	sfence  }
0xc6: {  	s30 =	sld [smem:$0x0];
	_ =	sdelay $0x2  }
0xc7: {  	s31 =	sshll.u32 s1, $0xD;
	s1 =	sshrl.u32 s1, $0x2  }
0xc8: {  	s4 =	sand.u32 $0x4000, s31;
	s1 =	sadd.s32 s1, s30  }
0xc9: {  	s0 =	sor.u32 s4, s0;
	s1 =	sshll.u32 s1, $0x11  }
0xca: {  	s0 =	sor.u32 s1, s0  }
0xcb: {  	s0 =	sadd.s32 $0x8F2B, s0  }
0xcc: {  	[sflag:s0] =	ssyncadd.remote.s32 $0x1  }
0xcd: {  	_ =	sfence.sel $0xFFFF  }
0xce: {  	[dreg:$0x0] =	wrdreg $0xFFFFFFFF;
	(pc) =	sbr.abs _section_cstart, $3  }
0xcf: {  	[dreg:$0x1] =	wrdreg $0xFFFFFFFF  }
0xd0: {  	_ =	task.clear_ibuf [dreg:s22], $0x2FFFF;
	_ =	strace $0x9FFFFFFF  }
0xd1: {  	(tm) =	ssettm $0x7FFFFFFF  }
tec
execute0_lowered:
.L_overlay_start_1:
0x0: {  	(tag) =	ssettag $0x1  }
0x1: {  	s0 =	rddreg [dreg:$0x0]  }
0x2: {  	s2 =	rddreg [dreg:$0x1];
	s1 =	stileid.u32  }
0x3: {  	s3 =	simm.s32 $0x0;
	s24 =	srdreg.scid;
	s5 =	smul.u32 $0x9E0, s1  }
0x4: {  	s28 =	simm.s32 $0x80;
	s29 =	simm.s32 $0x1;
	s25 =	smul.u32 $0x50000, s1  }
0x5: {  	s30 =	simm.s32 $0x0;
	[smem:$0x7FF] =	sst s3;
	s16 =	smul.u32 $0x280, s1  }
0x6: {  	s4 =	sadd.s32 $0x1FA00, s0;
	s18 =	sand.u32 $0x1, s24;
	s8 =	smul.u32 $0x2800, s1  }
0x7: {  	s14 =	sadd.s32 $0x47A00, s0;
	_ =	strace $0x8000004A;
	s19 =	smul.u32 $0x2800, s18  }
0x8: {  	s6 =	ssub.s32 $0x2, s18;
	s24 =	smul.u32 $0x4F0, s18;
	s21 =	sadd.s32 s5, s0  }
0x9: {  	s0 =	sadd.s32 $0x6FA00, s0;
	s7 =	sshrl.u32 s6, $0x1;
	s5 =	sshrl.u32 s25, $0x2  }
0xa: {  	s31 =	sadd.s32 s14, s8;
	s17 =	sadd.s32 $0x80, s16;
	s20 =	sadd.s32 $0x100, s16  }
0xb: {  	s22 =	sadd.s32 $0x180, s16;
	s23 =	sadd.s32 $0x200, s16;
	s6 =	ssub.s32 s6, s7  }
0xc: {  	s5 =	sadd.s32 s5, s2;
	[dreg:$0x4] =	wrdreg s31;
	s9 =	sshll.u32 s17, $0x7  }
0xd: {  	s10 =	sshll.u32 s20, $0x4;
	s11 =	sshll.u32 s20, $0x7;
	s12 =	sshll.u32 s22, $0x4  }
0xe: {  	s13 =	sshll.u32 s22, $0x7;
	s15 =	sshll.u32 s23, $0x4;
	s7 =	sshll.u32 s23, $0x7  }
0xf: {  	s16 =	sadd.s32 s19, s16;
	s20 =	sadd.s32 s19, s20;
	s22 =	sadd.s32 s19, s22  }
0x10: {  	s31 =	sadd.s32 s24, s21;
	s24 =	simm.s32 $0x2;
	s26 =	smax.u32 s6, $0x1  }
0x11: {  	s6 =	sshll.u32 s17, $0x4;
	s9 =	sadd.s32 s9, s2;
	s10 =	sadd.s32 s14, s10  }
0x12: {  	s11 =	sadd.s32 s11, s2;
	s12 =	sadd.s32 s14, s12;
	s13 =	sadd.s32 s13, s2  }
0x13: {  	s17 =	sadd.s32 s19, s17;
	s16 =	sshll.u32 s16, $0x4;
	s20 =	sshll.u32 s20, $0x4  }
0x14: {  	s19 =	sadd.s32 s19, s23;
	s25 =	sshll.u32 s22, $0x4;
	s21 =	sadd.s32 $0x1E00, s31  }
0x15: {  	s22 =	sadd.s32 $0x15C00, s31;
	s23 =	simm.s32 $0x14100;
	[dreg:$0x3] =	wrdreg s26  }
0x16: {  	s8 =	sadd.s32 s14, s6;
	s14 =	sadd.s32 s14, s15;
	s15 =	sadd.s32 s7, s2  }
0x17: {  	s17 =	sshll.u32 s17, $0x4;
	s16 =	sadd.s32 s0, s16;
	s18 =	sadd.s32 s0, s20  }
0x18: {  	s26 =	sshll.u32 s19, $0x4;
	s19 =	sadd.s32 s0, s25;
	s25 =	simm.s32 $0x14000  }
0x19: {  	s17 =	sadd.s32 s0, s17;
	s20 =	sadd.s32 s0, s26;
	s26 =	simm.s32 $0x14080  }
.LBB2_1:
0x1a: {  	s0 =	rddreg [dreg:$0x4]  }
0x1b: {  	[tilespmem:s23], [sflag:$0x2] =	stream.linear.gather [hbm4b:s0+s3], $0x4000, $0x38;
	[tilespmem:$0x18100] =	vst v63  }
0x1c: {  	_ =	swait.ge [sflag:s24], $0x4000  }
0x1d: {  	[sflag:s24] =	ssyncset.done $0x0  }
0x1e: {  	[sflag:s24] =	ssyncadd.s32 $0xFFFFC000  }
0x1f: {  	[spmem:s5] =	stream.linear.scatter [tilespmem:s23], [sflag:$0x2], $0x4000, $0x38;
	[tilespmem:$0x18100] =	vst v63  }
0x20: {  	_ =	swait.ge [sflag:s24], $0x4000  }
0x21: {  	[sflag:s24] =	ssyncset.done $0x0  }
0x22: {  	[sflag:s24] =	ssyncadd.s32 $0xFFFFC000  }
0x23: {  	[tilespmem:s23], [sflag:$0x2] =	stream.linear.gather [hbm4b:s8+s3], $0x4000, $0x38;
	[tilespmem:$0x18100] =	vst v63  }
0x24: {  	_ =	swait.ge [sflag:s24], $0x4000  }
0x25: {  	[sflag:s24] =	ssyncset.done $0x0  }
0x26: {  	[sflag:s24] =	ssyncadd.s32 $0xFFFFC000  }
0x27: {  	[spmem:s9] =	stream.linear.scatter [tilespmem:s23], [sflag:$0x2], $0x4000, $0x38;
	[tilespmem:$0x18100] =	vst v63  }
0x28: {  	_ =	swait.ge [sflag:s24], $0x4000  }
0x29: {  	[sflag:s24] =	ssyncset.done $0x0  }
0x2a: {  	[sflag:s24] =	ssyncadd.s32 $0xFFFFC000  }
0x2b: {  	[tilespmem:s23], [sflag:$0x2] =	stream.linear.gather [hbm4b:s10+s3], $0x4000, $0x38;
	[tilespmem:$0x18100] =	vst v63  }
0x2c: {  	_ =	swait.ge [sflag:s24], $0x4000  }
0x2d: {  	[sflag:s24] =	ssyncset.done $0x0  }
0x2e: {  	[sflag:s24] =	ssyncadd.s32 $0xFFFFC000  }
0x2f: {  	[spmem:s11] =	stream.linear.scatter [tilespmem:s23], [sflag:$0x2], $0x4000, $0x38;
	[tilespmem:$0x18100] =	vst v63  }
0x30: {  	_ =	swait.ge [sflag:s24], $0x4000  }
0x31: {  	[sflag:s24] =	ssyncset.done $0x0  }
0x32: {  	[sflag:s24] =	ssyncadd.s32 $0xFFFFC000  }
0x33: {  	[tilespmem:s23], [sflag:$0x2] =	stream.linear.gather [hbm4b:s12+s3], $0x4000, $0x38;
	[tilespmem:$0x18100] =	vst v63  }
0x34: {  	_ =	swait.ge [sflag:s24], $0x4000  }
0x35: {  	[sflag:s24] =	ssyncset.done $0x0  }
0x36: {  	[sflag:s24] =	ssyncadd.s32 $0xFFFFC000  }
0x37: {  	[spmem:s13] =	stream.linear.scatter [tilespmem:s23], [sflag:$0x2], $0x4000, $0x38;
	[tilespmem:$0x18100] =	vst v63  }
0x38: {  	_ =	swait.ge [sflag:s24], $0x4000  }
0x39: {  	[sflag:s24] =	ssyncset.done $0x0  }
0x3a: {  	[sflag:s24] =	ssyncadd.s32 $0xFFFFC000  }
0x3b: {  	[tilespmem:s23], [sflag:$0x2] =	stream.linear.gather [hbm4b:s14+s3], $0x4000, $0x38;
	[tilespmem:$0x18100] =	vst v63  }
0x3c: {  	_ =	swait.ge [sflag:s24], $0x4000  }
0x3d: {  	[sflag:s24] =	ssyncset.done $0x0  }
0x3e: {  	[sflag:s24] =	ssyncadd.s32 $0xFFFFC000  }
0x3f: {  	[spmem:s15] =	stream.linear.scatter [tilespmem:s23], [sflag:$0x2], $0x4000, $0x38;
	[tilespmem:$0x18100] =	vst v63  }
0x40: {  	_ =	swait.ge [sflag:s24], $0x4000  }
0x41: {  	[sflag:s24] =	ssyncset.done $0x0  }
0x42: {  	[sflag:s24] =	ssyncadd.s32 $0xFFFFC000  }
0x43: {  	s6 =	sadd.s32 $0x0, s22;
	[bflag:$0x0] =	sbarrier.arrive $0xFFFF  }
0x44: {  	[tilespmem:s25], [sflag:$0x2] =	stream.linear.gather [hbm4b:s6+s3], $0x80, $0x38;
	[tilespmem:$0x18100] =	vst v63  }
0x45: {  	_ =	swait.ge [sflag:s24], $0x80  }
0x46: {  	[sflag:s24] =	ssyncset.done $0x0  }
0x47: {  	s7 =	sadd.s32 $0x0, s21;
	[sflag:s24] =	ssyncadd.s32 $0xFFFFFF80  }
0x48: {  	[tilespmem:s26], [sflag:$0x2] =	stream.linear.gather [hbm4b:s7+s3], $0x80, $0x38;
	[tilespmem:$0x18100] =	vst v63  }
0x49: {  	_ =	swait.ge [sflag:s24], $0x80  }
0x4a: {  	[sflag:s24] =	ssyncset.done $0x0  }
0x4b: {  	[sflag:s24] =	ssyncadd.s32 $0xFFFFFF80  }
0x4c: {  	[tilespmem:s23], [sflag:$0x1] =	stream.indirect.gather [hbm4b:s4+s28], $0x80, s25, s28, $0xb8;
	[tilespmem:$0x18100] =	vst v63  }
0x4d: {  	_ =	swait.ge [sflag:s29], $0x4000  }
0x4e: {  	[sflag:s29] =	ssyncset.done $0x0  }
0x4f: {  	[sflag:s29] =	ssyncadd.s32 $0xFFFFC000  }
0x50: {  	[spmem:s2] =	stream.indirect.scatter.add.f32 [tilespmem:s23], [sflag:$0x2], $0x80, s26, s28, $0xb8;
	[tilespmem:$0x18100] =	vst v63  }
0x51: {  	_ =	swait.ge [sflag:s24], $0x4000  }
0x52: {  	s31 =	simm.s32 $0x10;
	s0 =	simm.s32 $0x20;
	[sflag:s24] =	ssyncset.done $0x0  }
.LBB2_2:
0x53: {  	s1 =	sadd.s32 s31, s22  }
0x54: {  	[sflag:s24] =	ssyncadd.s32 $0xFFFFC000;
	s6 =	smov.u32 s0;
	s7 =	sadd.s32 $0x10, s0  }
0x55: {  	[tilespmem:s25], [sflag:$0x2] =	stream.linear.gather [hbm4b:s1+s3], $0x80, $0x38;
	[tilespmem:$0x18100] =	vst v63  }
0x56: {  	p0 =	sne.s32 s0, $0x4E0;
	_ =	swait.ge [sflag:s24], $0x80  }
0x57: {  	[sflag:s24] =	ssyncset.done $0x0  }
0x58: {  	s0 =	sadd.s32 s31, s21;
	s31 =	smov.u32 s6;
	[sflag:s24] =	ssyncadd.s32 $0xFFFFFF80  }
0x59: {  	[tilespmem:s26], [sflag:$0x2] =	stream.linear.gather [hbm4b:s0+s3], $0x80, $0x38;
	[tilespmem:$0x18100] =	vst v63  }
0x5a: {  	_ =	swait.ge [sflag:s24], $0x80  }
0x5b: {  	[sflag:s24] =	ssyncset.done $0x0  }
0x5c: {  	[sflag:s24] =	ssyncadd.s32 $0xFFFFFF80  }
0x5d: {  	[tilespmem:s23], [sflag:$0x1] =	stream.indirect.gather [hbm4b:s4+s28], $0x80, s25, s28, $0xb8;
	[tilespmem:$0x18100] =	vst v63  }
0x5e: {  	_ =	swait.ge [sflag:s29], $0x4000  }
.Ltmp0:
0x5f: {  	[sflag:s29] =	ssyncset.done $0x0;
	(pc) =	sbr.rel @p0 .LBB2_2-.Ltmp0, $4  }
0x60: {  	[sflag:s29] =	ssyncadd.s32 $0xFFFFC000  }
0x61: {  	[spmem:s2] =	stream.indirect.scatter.add.f32 [tilespmem:s23], [sflag:$0x2], $0x80, s26, s28, $0xb8;
	[tilespmem:$0x18100] =	vst v63  }
0x62: {  	_ =	swait.ge [sflag:s24], $0x4000  }
0x63: {  	s0 =	smov.u32 s7;
	[sflag:s24] =	ssyncset.done $0x0  }
0x64: {  	s0 =	sadd.s32 s31, s22;
	[sflag:s24] =	ssyncadd.s32 $0xFFFFC000  }
0x65: {  	[tilespmem:s25], [sflag:$0x2] =	stream.linear.gather [hbm4b:s0+s3], $0x80, $0x38;
	[tilespmem:$0x18100] =	vst v63  }
0x66: {  	_ =	swait.ge [sflag:s24], $0x80  }
0x67: {  	[sflag:s24] =	ssyncset.done $0x0  }
0x68: {  	s7 =	sadd.s32 s31, s21;
	[sflag:s24] =	ssyncadd.s32 $0xFFFFFF80  }
0x69: {  	[tilespmem:s26], [sflag:$0x2] =	stream.linear.gather [hbm4b:s7+s3], $0x80, $0x38;
	[tilespmem:$0x18100] =	vst v63  }
0x6a: {  	_ =	swait.ge [sflag:s24], $0x80  }
0x6b: {  	[sflag:s24] =	ssyncset.done $0x0  }
0x6c: {  	[sflag:s24] =	ssyncadd.s32 $0xFFFFFF80  }
0x6d: {  	[tilespmem:s23], [sflag:$0x1] =	stream.indirect.gather [hbm4b:s4+s28], $0x80, s25, s28, $0xb8;
	[tilespmem:$0x18100] =	vst v63  }
0x6e: {  	_ =	swait.ge [sflag:s29], $0x4000  }
0x6f: {  	[sflag:s29] =	ssyncset.done $0x0  }
0x70: {  	[sflag:s29] =	ssyncadd.s32 $0xFFFFC000  }
0x71: {  	[spmem:s2] =	stream.indirect.scatter.add.f32 [tilespmem:s23], [sflag:$0x2], $0x80, s26, s28, $0xb8;
	[tilespmem:$0x18100] =	vst v63  }
0x72: {  	_ =	swait.ge [sflag:s24], $0x4000  }
0x73: {  	[sflag:s24] =	ssyncset.done $0x0  }
0x74: {  	[sflag:s24] =	ssyncadd.s32 $0xFFFFC000  }
0x75: {  	[bflag:$0x0] =	sbarrier.arrive $0xFFFF  }
0x76: {  	[tilespmem:s23], [sflag:$0x2] =	stream.linear.gather [spmem:s5], $0x4000, $0x38;
	[tilespmem:$0x18100] =	vst v63  }
0x77: {  	_ =	swait.ge [sflag:s24], $0x4000  }
0x78: {  	[sflag:s24] =	ssyncset.done $0x0  }
0x79: {  	[sflag:s24] =	ssyncadd.s32 $0xFFFFC000  }
0x7a: {  	[hbm4b:s16+s3] =	stream.linear.scatter [tilespmem:s23], [sflag:$0x2], $0x4000, $0x38;
	[tilespmem:$0x18100] =	vst v63  }
0x7b: {  	_ =	swait.ge [sflag:s24], $0x4000  }
0x7c: {  	[sflag:s24] =	ssyncset.done $0x0  }
0x7d: {  	[sflag:s24] =	ssyncadd.s32 $0xFFFFC000  }
0x7e: {  	[tilespmem:s23], [sflag:$0x2] =	stream.linear.gather [spmem:s9], $0x4000, $0x38;
	[tilespmem:$0x18100] =	vst v63  }
0x7f: {  	_ =	swait.ge [sflag:s24], $0x4000  }
0x80: {  	[sflag:s24] =	ssyncset.done $0x0  }
0x81: {  	[sflag:s24] =	ssyncadd.s32 $0xFFFFC000  }
0x82: {  	[hbm4b:s17+s3] =	stream.linear.scatter [tilespmem:s23], [sflag:$0x2], $0x4000, $0x38;
	[tilespmem:$0x18100] =	vst v63  }
0x83: {  	_ =	swait.ge [sflag:s24], $0x4000  }
0x84: {  	[sflag:s24] =	ssyncset.done $0x0  }
0x85: {  	[sflag:s24] =	ssyncadd.s32 $0xFFFFC000  }
0x86: {  	[tilespmem:s23], [sflag:$0x2] =	stream.linear.gather [spmem:s11], $0x4000, $0x38;
	[tilespmem:$0x18100] =	vst v63  }
0x87: {  	_ =	swait.ge [sflag:s24], $0x4000  }
0x88: {  	[sflag:s24] =	ssyncset.done $0x0  }
0x89: {  	[sflag:s24] =	ssyncadd.s32 $0xFFFFC000  }
0x8a: {  	[hbm4b:s18+s3] =	stream.linear.scatter [tilespmem:s23], [sflag:$0x2], $0x4000, $0x38;
	[tilespmem:$0x18100] =	vst v63  }
0x8b: {  	_ =	swait.ge [sflag:s24], $0x4000  }
0x8c: {  	[sflag:s24] =	ssyncset.done $0x0  }
0x8d: {  	[sflag:s24] =	ssyncadd.s32 $0xFFFFC000  }
0x8e: {  	[tilespmem:s23], [sflag:$0x2] =	stream.linear.gather [spmem:s13], $0x4000, $0x38;
	[tilespmem:$0x18100] =	vst v63  }
0x8f: {  	_ =	swait.ge [sflag:s24], $0x4000  }
0x90: {  	[sflag:s24] =	ssyncset.done $0x0  }
0x91: {  	[sflag:s24] =	ssyncadd.s32 $0xFFFFC000  }
0x92: {  	[hbm4b:s19+s3] =	stream.linear.scatter [tilespmem:s23], [sflag:$0x2], $0x4000, $0x38;
	[tilespmem:$0x18100] =	vst v63  }
0x93: {  	_ =	swait.ge [sflag:s24], $0x4000  }
0x94: {  	[sflag:s24] =	ssyncset.done $0x0  }
0x95: {  	[sflag:s24] =	ssyncadd.s32 $0xFFFFC000  }
0x96: {  	[tilespmem:s23], [sflag:$0x2] =	stream.linear.gather [spmem:s15], $0x4000, $0x38;
	[tilespmem:$0x18100] =	vst v63  }
0x97: {  	_ =	swait.ge [sflag:s24], $0x4000  }
0x98: {  	[sflag:s24] =	ssyncset.done $0x0  }
0x99: {  	[sflag:s24] =	ssyncadd.s32 $0xFFFFC000  }
0x9a: {  	[hbm4b:s20+s3] =	stream.linear.scatter [tilespmem:s23], [sflag:$0x2], $0x4000, $0x38;
	[tilespmem:$0x18100] =	vst v63  }
0x9b: {  	_ =	swait.ge [sflag:s24], $0x4000  }
0x9c: {  	s30 =	sadd.s32 $0x1, s30;
	s31 =	rddreg [dreg:$0x3]  }
0x9d: {  	p0 =	sne.s32 s30, s31  }
.Ltmp1:
0x9e: {  	_ = 	snop;
	(pc) =	sbr.rel @p0 .LBB2_1-.Ltmp1, $3  }
0x9f: {  	_ =	sdelay $0x1  }
0xa0: {  	[sflag:s24] =	ssyncset.done $0x0  }
0xa1: {  	[sflag:s24] =	ssyncadd.s32 $0xFFFFC000  }
0xa2: {  	_ =	sfence.sel $0x180000  }
0xa3: {  	[bflag:$0x0] =	sbarrier.arrive $0xFFFF  }
0xa4: {  	_ =	strace $0x9000004A  }
0xa5: {  	s0 =	stileid.u32;
	[bflag:$0x2] =	sbarrier.arrive $0xFFFF  }
0xa6: {  	p0 =	sne.s32 s0, $0x0;
	s0 =	rddreg [dreg:$0x2]  }
0xa7: {  	s0 =	sadd.s32 @!p0 $0x100000, s0  }
0xa8: {  	[sflag:s0] =	ssyncadd.tile.s32 @!p0 $0x1;
	_ =	shalt  }
.Lfunc_end2:
_tile_overlayer_lowered:
.L_overlay_start_2:
0xa9: {  	(tag) =	ssettag $0x2  }
0xaa: {  	s0 =	rddreg [dreg:$0x0];
	s2 =	stileid.u32  }
0xab: {  	s1 =	rddreg [dreg:$0x1];
	p0 =	sne.s32 s2, $0x0  }
0xac: {  	s3 =	rddreg [dreg:$0x2];
	[bflag:$0x3] =	sbarrier.arrive $0xFFFF;
	s2 =	simm.s32 @!p0 $0x1C02  }
0xad: {  	[timem:s3], [sflag:s2] =	dma.local @!p0 [hbm:s0], s1  }
0xae: {  	s0 =	simm.s32 @!p0 $0x2  }
0xaf: {  	_ =	swait.ge @!p0 [sflag:s0], s1  }
0xb0: {  	s1 =	ssub.s32 @!p0 $0x0, s1;
	[sflag:s0] =	ssyncset.done @!p0 $0x0  }
0xb1: {  	[sflag:s0] =	ssyncadd.s32 @!p0 s1  }
0xb2: {  	[bflag:$0x3] =	sbarrier.arrive $0xFFFF  }
0xb3: {  	_ =	shalt  }

// kernel: kernel.16.cloned.1.call-start
scs
__scs_entry_jumppad:
0x0: {  	(pc) =	sbr.rel $0x88, $3  }
0x1: {  	(tag) =	ssettag $0x0;
	lr =	simm.s32 $0x1  }
0x2: {  	[smem:$0x3F8B] =	sst lr;
	_ =	strace $0xD0000000  }
0x3: {  	_ = 	snop  }
0x4: {  	_ = 	snop  }
0x5: {  	_ = 	snop  }
0x6: {  	_ = 	snop  }
0x7: {  	_ = 	snop  }
__scs_overlays_trampoline_lowered:
0x8: {  	[smem:$0x3F9A] =	sst s0  }
0x9: {  	[smem:$0x3F9B] =	sst s1  }
0xa: {  	[smem:$0x3F9C] =	sst s2  }
0xb: {  	[smem:$0x3F9D] =	sst s3  }
0xc: {  	[smem:$0x3F9E] =	sst s4  }
0xd: {  	[smem:$0x3F9F] =	sst s5  }
0xe: {  	[smem:$0x3FA0] =	sst s6  }
0xf: {  	[smem:$0x3FA1] =	sst s7  }
0x10: {  	[smem:$0x3FA2] =	sst s8  }
0x11: {  	[smem:$0x3FA3] =	sst s9;
	s0 =	simm.s32 @!p0 $0x0  }
0x12: {  	s1 =	sld [smem:$0x3F89];
	s0 =	simm.s32 @p0 $0x1  }
0x13: {  	[smem:$0x3FA4] =	sst s0;
	s0 =	simm.s32 @!p1 $0x0  }
0x14: {  	s2 =	sld [smem:$0x3F88];
	s0 =	simm.s32 @p1 $0x1  }
0x15: {  	[smem:$0x3FA5] =	sst s0;
	s0 =	simm.s32 @!p2 $0x0  }
0x16: {  	s3 =	sld [smem:$0x3FDB];
	s0 =	simm.s32 @p2 $0x1  }
0x17: {  	s4 =	simm.s32 $0x1BF5;
	[smem:$0x3FA7] =	sst s0  }
0x18: {  	s0 =	sld [smem:$0x3F8A];
	_ =	swait.ge [sflag:s4], $0x0  }
0x19: {  	s7 =	sld [smem:$0x3F8B]  }
0x1a: {  	s8 =	sadd.s32 $0xFFFFE003, lr  }
0x1b: {  	s9 =	sadd.s32 $0xFFFFFEF7, lr;
	s5 =	simm.s32 $0xFFFFFFFF;
	p2 =	slt.u32 s8, $0xFFFFF086  }
0x1c: {  	p1 =	slt.u32 s9, $0xF7A;
	s5 =	simm.s32 @!p2 $0x0  }
0x1d: {  	s5 =	simm.s32 @p1 $0x1;
	p0 =	seq.s32 s7, s2  }
0x1e: {  	s7 =	smul.u32 @!p0 $0xF7A, s2;
	p2 =	seq.s32 @!p0 s5, $0x0  }
0x1f: {  	s9 =	smul.u32 $0xF7A, s1;
	s8 =	simm.s32 @!p0 $0x1BF5;
	p2 =	por !p2, p0  }
0x20: {  	[sflag:s8] =	ssyncset.s32 @!p0 $0xFFFFF086;
	s6 =	sadd.s32 @!p0 s3, s7;
	s7 =	simm.s32 @!p0 $0x108  }
0x21: {  	s3 =	sadd.s32 s3, s9;
	s6 =	sadd.s32 @!p0 $0x88, s6;
	s7 =	simm.s32 @p2 $0x1082  }
0x22: {  	[simem:s7], [sflag:s8] =	dma.local @!p0 [hbm:s6], $0xF7A  }
0x23: {  	s9 =	sor.u32 $0xD0000000, s2;
	s6 =	simm.s32 $0x108;
	_ =	swait.ge @!p0 [sflag:s8], $0x0  }
0x24: {  	s3 =	sadd.s32 $0x88, s3;
	s6 =	simm.s32 @!p1 $0x1082;
	[sflag:s4] =	ssyncset.s32 $0xFFFFF086  }
0x25: {  	[simem:s6], [sflag:s4] =	dma.local [hbm:s3], $0xF7A  }
0x26: {  	[smem:$0x3F8B] =	sst s1;
	(tag) =	ssettag s2;
	_ =	strace s9  }
0x27: {  	s1 =	sld [smem:$0x3F9B]  }
0x28: {  	s2 =	sld [smem:$0x3F9C]  }
0x29: {  	s4 =	sld [smem:$0x3F9E]  }
0x2a: {  	p0 =	seq.s32 s5, $0x0;
	s5 =	sld [smem:$0x3F9F]  }
0x2b: {  	s6 =	sld [smem:$0x3FA0]  }
0x2c: {  	s7 =	sld [smem:$0x3FA1]  }
0x2d: {  	s3 =	simm.s32 $0x108;
	s8 =	sld [smem:$0x3FA2]  }
0x2e: {  	s3 =	simm.s32 @!p0 $0x1082;
	s9 =	sld [smem:$0x3FA3]  }
0x2f: {  	lr =	sadd.s32 s0, s3;
	s0 =	sld [smem:$0x3F9A]  }
0x30: {  	s3 =	sld [smem:$0x3F9D]  }
0x31: {  	[smem:$0x3FA6] =	sst s10  }
0x32: {  	s10 =	sld [smem:$0x3FA4];
	_ =	sdelay $0x3  }
0x33: {  	p0 =	seq.s32 s10, $0x1;
	s10 =	sld [smem:$0x3FA6];
	_ =	sdelay $0x3  }
0x34: {  	[smem:$0x3FA6] =	sst s10  }
0x35: {  	s10 =	sld [smem:$0x3FA5];
	_ =	sdelay $0x3  }
0x36: {  	p1 =	seq.s32 s10, $0x1;
	s10 =	sld [smem:$0x3FA6];
	_ =	sdelay $0x3  }
0x37: {  	[smem:$0x3FA6] =	sst s10  }
0x38: {  	s10 =	sld [smem:$0x3FA7]  }
0x39: {  	_ = 	snop;
	(pc) =	sbr.ind lr, $3  }
0x3a: {  	_ = 	snop  }
0x3b: {  	_ = 	snop  }
0x3c: {  	p2 =	seq.s32 s10, $0x1;
	s10 =	sld [smem:$0x3FA6]  }
0x3d: {  	_ =	shalt  }
0x3e: {  	_ =	shalt  }
0x3f: {  	_ =	shalt  }
0x40: {  	_ =	shalt  }
0x41: {  	_ =	shalt  }
0x42: {  	_ =	shalt  }
0x43: {  	_ =	shalt  }
0x44: {  	_ =	shalt  }
0x45: {  	_ =	shalt  }
0x46: {  	_ =	shalt  }
0x47: {  	_ =	shalt  }
0x48: {  	_ =	shalt  }
0x49: {  	_ =	shalt  }
0x4a: {  	_ =	shalt  }
0x4b: {  	_ =	shalt  }
0x4c: {  	_ =	shalt  }
0x4d: {  	_ =	shalt  }
0x4e: {  	_ =	shalt  }
0x4f: {  	_ =	shalt  }
0x50: {  	_ =	shalt  }
0x51: {  	_ =	shalt  }
0x52: {  	_ =	shalt  }
0x53: {  	_ =	shalt  }
0x54: {  	_ =	shalt  }
0x55: {  	_ =	shalt  }
0x56: {  	_ =	shalt  }
0x57: {  	_ =	shalt  }
0x58: {  	_ =	shalt  }
0x59: {  	_ =	shalt  }
0x5a: {  	_ =	shalt  }
0x5b: {  	_ =	shalt  }
0x5c: {  	_ =	shalt  }
0x5d: {  	_ =	shalt  }
0x5e: {  	_ =	shalt  }
0x5f: {  	_ =	shalt  }
0x60: {  	_ =	shalt  }
0x61: {  	_ =	shalt  }
0x62: {  	_ =	shalt  }
0x63: {  	_ =	shalt  }
0x64: {  	_ =	shalt  }
0x65: {  	_ =	shalt  }
0x66: {  	_ =	shalt  }
0x67: {  	_ =	shalt  }
0x68: {  	_ =	shalt  }
0x69: {  	_ =	shalt  }
0x6a: {  	_ =	shalt  }
0x6b: {  	_ =	shalt  }
0x6c: {  	_ =	shalt  }
0x6d: {  	_ =	shalt  }
0x6e: {  	_ =	shalt  }
0x6f: {  	_ =	shalt  }
0x70: {  	_ =	shalt  }
0x71: {  	_ =	shalt  }
0x72: {  	_ =	shalt  }
0x73: {  	_ =	shalt  }
0x74: {  	_ =	shalt  }
0x75: {  	_ =	shalt  }
0x76: {  	_ =	shalt  }
0x77: {  	_ =	shalt  }
0x78: {  	_ =	shalt  }
0x79: {  	_ =	shalt  }
0x7a: {  	_ =	shalt  }
0x7b: {  	_ =	shalt  }
0x7c: {  	_ =	shalt  }
0x7d: {  	_ =	shalt  }
0x7e: {  	_ =	shalt  }
0x7f: {  	_ =	shalt  }
0x80: {  	_ =	shalt  }
0x81: {  	_ =	shalt  }
0x82: {  	_ =	shalt  }
0x83: {  	_ =	shalt  }
0x84: {  	_ =	shalt  }
0x85: {  	_ =	shalt  }
0x86: {  	_ =	shalt  }
0x87: {  	_ =	shalt  }
.Lfunc_end0:
.L_simem_size_0:
called_computation.2_lowered:
.L_overlay_start_0:
0x88: {  	s2 =	sld [smem:$0x3FD9]  }
0x89: {  	s3 =	sld [smem:$0x3FFE];
	_ =	sdelay $0x1  }
0x8a: {  	s1 =	srdreg.scid  }
0x8b: {  	s0 =	sand.u32 $0x1, s1  }
0x8c: {  	s16 =	sshll.u32 s0, $0xA;
	s2 =	sadd.s32 s3, s2  }
0x8d: {  	s2 =	sadd.s32 s2, s16  }
0x8e: {  	[smem:$0x3FB2] =	sst s2  }
0x8f: {  	_ = 	snop  }
0x90: {  	(tm) =	ssettm $0x1  }
0x91: {  	s17 =	sld [smem:$0x3FFB];
	_ =	sdelay $0x3  }
0x92: {  	_ =	strace s17  }
0x93: {  	s2 =	sld [smem:$0x3FFC];
	_ =	sdelay $0x3  }
0x94: {  	_ =	strace s2  }
0x95: {  	s2 =	sld [smem:$0x3FFD];
	_ =	sdelay $0x3  }
0x96: {  	_ =	strace s2  }
0x97: {  	_ =	strace $0x8FFFFFFF  }
0x98: {  	s18 =	sld [smem:$0x3FDB];
	_ =	sdelay $0x1  }
0x99: {  	s19 =	simm.s32 $_scs_section_size  }
0x9a: {  	s4 =	simm.s32 $_size__tile_overlayer_lowered;
	s5 =	simm.s32 $_tile_overlayer_lowered  }
0x9b: {  	s22 =	simm.s32 $0x1BFF;
	s21 =	sshll.u32 s5, $0x1;
	s2 =	sadd.s32 s19, s18  }
0x9c: {  	s6 =	simm.s32 $0x0;
	s20 =	sshll.u32 s4, $0x1;
	s4 =	sadd.s32 s21, s2  }
0x9d: {  	[timem:s6], [sflag:s22] =	dma.local [hbm:s4], s20  }
0x9e: {  	_ =	swait.ge [sflag:s22], s20  }
0x9f: {  	s3 =	ssub.s32 $0x0, s20;
	[sflag:s22] =	ssyncset.done $0x0  }
0xa0: {  	[sflag:s22] =	ssyncadd.s32 s3;
	_ =	sdelay $0x1  }
0xa1: {  	s23 =	simm.s32 $0x1B8B  }
0xa2: {  	_ =	swait.ge [sflag:s23], $0x1  }
0xa3: {  	[sflag:s23] =	ssyncset.done $0x0  }
0xa4: {  	s25 =	simm.s32 $0x1B8E;
	s24 =	sld [smem:$0x3FFE];
	[sflag:s23] =	ssyncadd.s32 $0xFFFFFFFF  }
0xa5: {  	s26 =	simm.s32 $execute0_lowered;
	[smem:$0x3FD2] =	sst s25  }
0xa6: {  	s4 =	sshll.u32 s26, $0x1;
	_ =	strace $0x8000004C;
	[dreg:$0x1] =	wrdreg $0xFFFFFFFF  }
0xa7: {  	s28 =	simm.s32 $_size_execute0_lowered;
	s2 =	sadd.s32 s2, s4;
	[dreg:$0x0] =	wrdreg $0x0  }
0xa8: {  	s4 =	sshll.u32 s28, $0x1;
	[dreg:$0x2] =	wrdreg s2  }
0xa9: {  	[dreg:$0x3] =	wrdreg s4  }
0xaa: {  	[dreg:$0x4] =	wrdreg $0xC0  }
0xab: {  	_ =	task [dreg:s6], $0x5FFFF  }
0xac: {  	[dreg:$0x1] =	wrdreg $0xFFFFFFFF  }
0xad: {  	[dreg:$0x0] =	wrdreg $0x60  }
0xae: {  	[dreg:$0x2] =	wrdreg s24  }
0xaf: {  	[dreg:$0x3] =	wrdreg $0x0  }
0xb0: {  	[dreg:$0x4] =	wrdreg $0x9  }
0xb1: {  	_ =	task.clear_ibuf [dreg:s6], $0x5FFFF;
	_ =	strace $0x9000004C  }
0xb2: {  	s29 =	simm.s32 $0x9;
	_ =	strace $0x8000004E  }
0xb3: {  	_ =	swait.ge [sflag:s29], $0x1  }
0xb4: {  	[sflag:s29] =	ssyncadd.s32 $0xFFFFFFFF  }
0xb5: {  	_ =	strace $0x9000004E  }
0xb6: {  	_ =	sfence  }
0xb7: {  	s30 =	sld [smem:$0x0];
	_ =	sdelay $0x2  }
0xb8: {  	s31 =	sshll.u32 s1, $0xD;
	s1 =	sshrl.u32 s1, $0x2  }
0xb9: {  	s3 =	sand.u32 $0x4000, s31;
	s1 =	sadd.s32 s1, s30  }
0xba: {  	s0 =	sor.u32 s3, s0;
	s1 =	sshll.u32 s1, $0x11  }
0xbb: {  	s0 =	sor.u32 s1, s0  }
0xbc: {  	s0 =	sadd.s32 $0x8F2B, s0  }
0xbd: {  	[sflag:s0] =	ssyncadd.remote.s32 $0x1  }
0xbe: {  	_ =	sfence.sel $0xFFFF  }
0xbf: {  	[dreg:$0x0] =	wrdreg $0xFFFFFFFF;
	(pc) =	sbr.abs _section_cstart, $3  }
0xc0: {  	[dreg:$0x1] =	wrdreg $0xFFFFFFFF  }
0xc1: {  	_ =	task.clear_ibuf [dreg:s6], $0x2FFFF;
	_ =	strace $0x9FFFFFFF  }
0xc2: {  	(tm) =	ssettm $0x7FFFFFFF  }
0xc3: {  	_ =	shalt  }
tec
execute0_lowered:
.L_overlay_start_1:
0x0: {  	(tag) =	ssettag $0x1  }
0x1: {  	s0 =	rddreg [dreg:$0x0]  }
0x2: {  	s2 =	rddreg [dreg:$0x1];
	s1 =	stileid.u32  }
0x3: {  	s3 =	simm.s32 $0x0;
	s24 =	srdreg.scid;
	s5 =	smul.u32 $0x9E0, s1  }
0x4: {  	s28 =	simm.s32 $0x80;
	s29 =	simm.s32 $0x1;
	s25 =	smul.u32 $0x50000, s1  }
0x5: {  	s30 =	simm.s32 $0x0;
	[smem:$0x7FF] =	sst s3;
	s16 =	smul.u32 $0x280, s1  }
0x6: {  	s4 =	sadd.s32 $0xC9A00, s0;
	s18 =	sand.u32 $0x1, s24;
	s8 =	smul.u32 $0x2800, s1  }
0x7: {  	s14 =	sadd.s32 $0x47A00, s0;
	_ =	strace $0x8000004D;
	s19 =	smul.u32 $0x2800, s18  }
0x8: {  	s6 =	ssub.s32 $0x2, s18;
	s24 =	smul.u32 $0x4F0, s18;
	s21 =	sadd.s32 s5, s0  }
0x9: {  	s0 =	sadd.s32 $0x6FA00, s0;
	s7 =	sshrl.u32 s6, $0x1;
	s5 =	sshrl.u32 s25, $0x2  }
0xa: {  	s31 =	sadd.s32 s14, s8;
	s17 =	sadd.s32 $0x80, s16;
	s20 =	sadd.s32 $0x100, s16  }
0xb: {  	s22 =	sadd.s32 $0x180, s16;
	s23 =	sadd.s32 $0x200, s16;
	s6 =	ssub.s32 s6, s7  }
0xc: {  	s5 =	sadd.s32 s5, s2;
	[dreg:$0x4] =	wrdreg s31;
	s9 =	sshll.u32 s17, $0x7  }
0xd: {  	s10 =	sshll.u32 s20, $0x4;
	s11 =	sshll.u32 s20, $0x7;
	s12 =	sshll.u32 s22, $0x4  }
0xe: {  	s13 =	sshll.u32 s22, $0x7;
	s15 =	sshll.u32 s23, $0x4;
	s7 =	sshll.u32 s23, $0x7  }
0xf: {  	s16 =	sadd.s32 s19, s16;
	s20 =	sadd.s32 s19, s20;
	s22 =	sadd.s32 s19, s22  }
0x10: {  	s31 =	sadd.s32 s24, s21;
	s24 =	simm.s32 $0x2;
	s26 =	smax.u32 s6, $0x1  }
0x11: {  	s6 =	sshll.u32 s17, $0x4;
	s9 =	sadd.s32 s9, s2;
	s10 =	sadd.s32 s14, s10  }
0x12: {  	s11 =	sadd.s32 s11, s2;
	s12 =	sadd.s32 s14, s12;
	s13 =	sadd.s32 s13, s2  }
0x13: {  	s17 =	sadd.s32 s19, s17;
	s16 =	sshll.u32 s16, $0x4;
	s20 =	sshll.u32 s20, $0x4  }
0x14: {  	s19 =	sadd.s32 s19, s23;
	s25 =	sshll.u32 s22, $0x4;
	s21 =	sadd.s32 $0x1E00, s31  }
0x15: {  	s22 =	sadd.s32 $0x15C00, s31;
	s23 =	simm.s32 $0x14100;
	[dreg:$0x3] =	wrdreg s26  }
0x16: {  	s8 =	sadd.s32 s14, s6;
	s14 =	sadd.s32 s14, s15;
	s15 =	sadd.s32 s7, s2  }
0x17: {  	s17 =	sshll.u32 s17, $0x4;
	s16 =	sadd.s32 s0, s16;
	s18 =	sadd.s32 s0, s20  }
0x18: {  	s26 =	sshll.u32 s19, $0x4;
	s19 =	sadd.s32 s0, s25;
	s25 =	simm.s32 $0x14000  }
0x19: {  	s17 =	sadd.s32 s0, s17;
	s20 =	sadd.s32 s0, s26;
	s26 =	simm.s32 $0x14080  }
.LBB2_1:
0x1a: {  	s0 =	rddreg [dreg:$0x4]  }
0x1b: {  	[tilespmem:s23], [sflag:$0x2] =	stream.linear.gather [hbm4b:s0+s3], $0x4000, $0x38;
	[tilespmem:$0x18100] =	vst v63  }
0x1c: {  	_ =	swait.ge [sflag:s24], $0x4000  }
0x1d: {  	[sflag:s24] =	ssyncset.done $0x0  }
0x1e: {  	[sflag:s24] =	ssyncadd.s32 $0xFFFFC000  }
0x1f: {  	[spmem:s5] =	stream.linear.scatter [tilespmem:s23], [sflag:$0x2], $0x4000, $0x38;
	[tilespmem:$0x18100] =	vst v63  }
0x20: {  	_ =	swait.ge [sflag:s24], $0x4000  }
0x21: {  	[sflag:s24] =	ssyncset.done $0x0  }
0x22: {  	[sflag:s24] =	ssyncadd.s32 $0xFFFFC000  }
0x23: {  	[tilespmem:s23], [sflag:$0x2] =	stream.linear.gather [hbm4b:s8+s3], $0x4000, $0x38;
	[tilespmem:$0x18100] =	vst v63  }
0x24: {  	_ =	swait.ge [sflag:s24], $0x4000  }
0x25: {  	[sflag:s24] =	ssyncset.done $0x0  }
0x26: {  	[sflag:s24] =	ssyncadd.s32 $0xFFFFC000  }
0x27: {  	[spmem:s9] =	stream.linear.scatter [tilespmem:s23], [sflag:$0x2], $0x4000, $0x38;
	[tilespmem:$0x18100] =	vst v63  }
0x28: {  	_ =	swait.ge [sflag:s24], $0x4000  }
0x29: {  	[sflag:s24] =	ssyncset.done $0x0  }
0x2a: {  	[sflag:s24] =	ssyncadd.s32 $0xFFFFC000  }
0x2b: {  	[tilespmem:s23], [sflag:$0x2] =	stream.linear.gather [hbm4b:s10+s3], $0x4000, $0x38;
	[tilespmem:$0x18100] =	vst v63  }
0x2c: {  	_ =	swait.ge [sflag:s24], $0x4000  }
0x2d: {  	[sflag:s24] =	ssyncset.done $0x0  }
0x2e: {  	[sflag:s24] =	ssyncadd.s32 $0xFFFFC000  }
0x2f: {  	[spmem:s11] =	stream.linear.scatter [tilespmem:s23], [sflag:$0x2], $0x4000, $0x38;
	[tilespmem:$0x18100] =	vst v63  }
0x30: {  	_ =	swait.ge [sflag:s24], $0x4000  }
0x31: {  	[sflag:s24] =	ssyncset.done $0x0  }
0x32: {  	[sflag:s24] =	ssyncadd.s32 $0xFFFFC000  }
0x33: {  	[tilespmem:s23], [sflag:$0x2] =	stream.linear.gather [hbm4b:s12+s3], $0x4000, $0x38;
	[tilespmem:$0x18100] =	vst v63  }
0x34: {  	_ =	swait.ge [sflag:s24], $0x4000  }
0x35: {  	[sflag:s24] =	ssyncset.done $0x0  }
0x36: {  	[sflag:s24] =	ssyncadd.s32 $0xFFFFC000  }
0x37: {  	[spmem:s13] =	stream.linear.scatter [tilespmem:s23], [sflag:$0x2], $0x4000, $0x38;
	[tilespmem:$0x18100] =	vst v63  }
0x38: {  	_ =	swait.ge [sflag:s24], $0x4000  }
0x39: {  	[sflag:s24] =	ssyncset.done $0x0  }
0x3a: {  	[sflag:s24] =	ssyncadd.s32 $0xFFFFC000  }
0x3b: {  	[tilespmem:s23], [sflag:$0x2] =	stream.linear.gather [hbm4b:s14+s3], $0x4000, $0x38;
	[tilespmem:$0x18100] =	vst v63  }
0x3c: {  	_ =	swait.ge [sflag:s24], $0x4000  }
0x3d: {  	[sflag:s24] =	ssyncset.done $0x0  }
0x3e: {  	[sflag:s24] =	ssyncadd.s32 $0xFFFFC000  }
0x3f: {  	[spmem:s15] =	stream.linear.scatter [tilespmem:s23], [sflag:$0x2], $0x4000, $0x38;
	[tilespmem:$0x18100] =	vst v63  }
0x40: {  	_ =	swait.ge [sflag:s24], $0x4000  }
0x41: {  	[sflag:s24] =	ssyncset.done $0x0  }
0x42: {  	[sflag:s24] =	ssyncadd.s32 $0xFFFFC000  }
0x43: {  	s6 =	sadd.s32 $0x0, s22;
	[bflag:$0x0] =	sbarrier.arrive $0xFFFF  }
0x44: {  	[tilespmem:s25], [sflag:$0x2] =	stream.linear.gather [hbm4b:s6+s3], $0x80, $0x38;
	[tilespmem:$0x18100] =	vst v63  }
0x45: {  	_ =	swait.ge [sflag:s24], $0x80  }
0x46: {  	[sflag:s24] =	ssyncset.done $0x0  }
0x47: {  	s7 =	sadd.s32 $0x0, s21;
	[sflag:s24] =	ssyncadd.s32 $0xFFFFFF80  }
0x48: {  	[tilespmem:s26], [sflag:$0x2] =	stream.linear.gather [hbm4b:s7+s3], $0x80, $0x38;
	[tilespmem:$0x18100] =	vst v63  }
0x49: {  	_ =	swait.ge [sflag:s24], $0x80  }
0x4a: {  	[sflag:s24] =	ssyncset.done $0x0  }
0x4b: {  	[sflag:s24] =	ssyncadd.s32 $0xFFFFFF80  }
0x4c: {  	[tilespmem:s23], [sflag:$0x1] =	stream.indirect.gather [hbm4b:s4+s28], $0x80, s25, s28, $0xb8;
	[tilespmem:$0x18100] =	vst v63  }
0x4d: {  	_ =	swait.ge [sflag:s29], $0x4000  }
0x4e: {  	[sflag:s29] =	ssyncset.done $0x0  }
0x4f: {  	[sflag:s29] =	ssyncadd.s32 $0xFFFFC000  }
0x50: {  	[spmem:s2] =	stream.indirect.scatter.add.f32 [tilespmem:s23], [sflag:$0x2], $0x80, s26, s28, $0xb8;
	[tilespmem:$0x18100] =	vst v63  }
0x51: {  	_ =	swait.ge [sflag:s24], $0x4000  }
0x52: {  	s31 =	simm.s32 $0x10;
	s0 =	simm.s32 $0x20;
	[sflag:s24] =	ssyncset.done $0x0  }
.LBB2_2:
0x53: {  	s1 =	sadd.s32 s31, s22  }
0x54: {  	[sflag:s24] =	ssyncadd.s32 $0xFFFFC000;
	s6 =	smov.u32 s0;
	s7 =	sadd.s32 $0x10, s0  }
0x55: {  	[tilespmem:s25], [sflag:$0x2] =	stream.linear.gather [hbm4b:s1+s3], $0x80, $0x38;
	[tilespmem:$0x18100] =	vst v63  }
0x56: {  	p0 =	sne.s32 s0, $0x4E0;
	_ =	swait.ge [sflag:s24], $0x80  }
0x57: {  	[sflag:s24] =	ssyncset.done $0x0  }
0x58: {  	s0 =	sadd.s32 s31, s21;
	s31 =	smov.u32 s6;
	[sflag:s24] =	ssyncadd.s32 $0xFFFFFF80  }
0x59: {  	[tilespmem:s26], [sflag:$0x2] =	stream.linear.gather [hbm4b:s0+s3], $0x80, $0x38;
	[tilespmem:$0x18100] =	vst v63  }
0x5a: {  	_ =	swait.ge [sflag:s24], $0x80  }
0x5b: {  	[sflag:s24] =	ssyncset.done $0x0  }
0x5c: {  	[sflag:s24] =	ssyncadd.s32 $0xFFFFFF80  }
0x5d: {  	[tilespmem:s23], [sflag:$0x1] =	stream.indirect.gather [hbm4b:s4+s28], $0x80, s25, s28, $0xb8;
	[tilespmem:$0x18100] =	vst v63  }
0x5e: {  	_ =	swait.ge [sflag:s29], $0x4000  }
.Ltmp0:
0x5f: {  	[sflag:s29] =	ssyncset.done $0x0;
	(pc) =	sbr.rel @p0 .LBB2_2-.Ltmp0, $4  }
0x60: {  	[sflag:s29] =	ssyncadd.s32 $0xFFFFC000  }
0x61: {  	[spmem:s2] =	stream.indirect.scatter.add.f32 [tilespmem:s23], [sflag:$0x2], $0x80, s26, s28, $0xb8;
	[tilespmem:$0x18100] =	vst v63  }
0x62: {  	_ =	swait.ge [sflag:s24], $0x4000  }
0x63: {  	s0 =	smov.u32 s7;
	[sflag:s24] =	ssyncset.done $0x0  }
0x64: {  	s0 =	sadd.s32 s31, s22;
	[sflag:s24] =	ssyncadd.s32 $0xFFFFC000  }
0x65: {  	[tilespmem:s25], [sflag:$0x2] =	stream.linear.gather [hbm4b:s0+s3], $0x80, $0x38;
	[tilespmem:$0x18100] =	vst v63  }
0x66: {  	_ =	swait.ge [sflag:s24], $0x80  }
0x67: {  	[sflag:s24] =	ssyncset.done $0x0  }
0x68: {  	s7 =	sadd.s32 s31, s21;
	[sflag:s24] =	ssyncadd.s32 $0xFFFFFF80  }
0x69: {  	[tilespmem:s26], [sflag:$0x2] =	stream.linear.gather [hbm4b:s7+s3], $0x80, $0x38;
	[tilespmem:$0x18100] =	vst v63  }
0x6a: {  	_ =	swait.ge [sflag:s24], $0x80  }
0x6b: {  	[sflag:s24] =	ssyncset.done $0x0  }
0x6c: {  	[sflag:s24] =	ssyncadd.s32 $0xFFFFFF80  }
0x6d: {  	[tilespmem:s23], [sflag:$0x1] =	stream.indirect.gather [hbm4b:s4+s28], $0x80, s25, s28, $0xb8;
	[tilespmem:$0x18100] =	vst v63  }
0x6e: {  	_ =	swait.ge [sflag:s29], $0x4000  }
0x6f: {  	[sflag:s29] =	ssyncset.done $0x0  }
0x70: {  	[sflag:s29] =	ssyncadd.s32 $0xFFFFC000  }
0x71: {  	[spmem:s2] =	stream.indirect.scatter.add.f32 [tilespmem:s23], [sflag:$0x2], $0x80, s26, s28, $0xb8;
	[tilespmem:$0x18100] =	vst v63  }
0x72: {  	_ =	swait.ge [sflag:s24], $0x4000  }
0x73: {  	[sflag:s24] =	ssyncset.done $0x0  }
0x74: {  	[sflag:s24] =	ssyncadd.s32 $0xFFFFC000  }
0x75: {  	[bflag:$0x0] =	sbarrier.arrive $0xFFFF  }
0x76: {  	[tilespmem:s23], [sflag:$0x2] =	stream.linear.gather [spmem:s5], $0x4000, $0x38;
	[tilespmem:$0x18100] =	vst v63  }
0x77: {  	_ =	swait.ge [sflag:s24], $0x4000  }
0x78: {  	[sflag:s24] =	ssyncset.done $0x0  }
0x79: {  	[sflag:s24] =	ssyncadd.s32 $0xFFFFC000  }
0x7a: {  	[hbm4b:s16+s3] =	stream.linear.scatter [tilespmem:s23], [sflag:$0x2], $0x4000, $0x38;
	[tilespmem:$0x18100] =	vst v63  }
0x7b: {  	_ =	swait.ge [sflag:s24], $0x4000  }
0x7c: {  	[sflag:s24] =	ssyncset.done $0x0  }
0x7d: {  	[sflag:s24] =	ssyncadd.s32 $0xFFFFC000  }
0x7e: {  	[tilespmem:s23], [sflag:$0x2] =	stream.linear.gather [spmem:s9], $0x4000, $0x38;
	[tilespmem:$0x18100] =	vst v63  }
0x7f: {  	_ =	swait.ge [sflag:s24], $0x4000  }
0x80: {  	[sflag:s24] =	ssyncset.done $0x0  }
0x81: {  	[sflag:s24] =	ssyncadd.s32 $0xFFFFC000  }
0x82: {  	[hbm4b:s17+s3] =	stream.linear.scatter [tilespmem:s23], [sflag:$0x2], $0x4000, $0x38;
	[tilespmem:$0x18100] =	vst v63  }
0x83: {  	_ =	swait.ge [sflag:s24], $0x4000  }
0x84: {  	[sflag:s24] =	ssyncset.done $0x0  }
0x85: {  	[sflag:s24] =	ssyncadd.s32 $0xFFFFC000  }
0x86: {  	[tilespmem:s23], [sflag:$0x2] =	stream.linear.gather [spmem:s11], $0x4000, $0x38;
	[tilespmem:$0x18100] =	vst v63  }
0x87: {  	_ =	swait.ge [sflag:s24], $0x4000  }
0x88: {  	[sflag:s24] =	ssyncset.done $0x0  }
0x89: {  	[sflag:s24] =	ssyncadd.s32 $0xFFFFC000  }
0x8a: {  	[hbm4b:s18+s3] =	stream.linear.scatter [tilespmem:s23], [sflag:$0x2], $0x4000, $0x38;
	[tilespmem:$0x18100] =	vst v63  }
0x8b: {  	_ =	swait.ge [sflag:s24], $0x4000  }
0x8c: {  	[sflag:s24] =	ssyncset.done $0x0  }
0x8d: {  	[sflag:s24] =	ssyncadd.s32 $0xFFFFC000  }
0x8e: {  	[tilespmem:s23], [sflag:$0x2] =	stream.linear.gather [spmem:s13], $0x4000, $0x38;
	[tilespmem:$0x18100] =	vst v63  }
0x8f: {  	_ =	swait.ge [sflag:s24], $0x4000  }
0x90: {  	[sflag:s24] =	ssyncset.done $0x0  }
0x91: {  	[sflag:s24] =	ssyncadd.s32 $0xFFFFC000  }
0x92: {  	[hbm4b:s19+s3] =	stream.linear.scatter [tilespmem:s23], [sflag:$0x2], $0x4000, $0x38;
	[tilespmem:$0x18100] =	vst v63  }
0x93: {  	_ =	swait.ge [sflag:s24], $0x4000  }
0x94: {  	[sflag:s24] =	ssyncset.done $0x0  }
0x95: {  	[sflag:s24] =	ssyncadd.s32 $0xFFFFC000  }
0x96: {  	[tilespmem:s23], [sflag:$0x2] =	stream.linear.gather [spmem:s15], $0x4000, $0x38;
	[tilespmem:$0x18100] =	vst v63  }
0x97: {  	_ =	swait.ge [sflag:s24], $0x4000  }
0x98: {  	[sflag:s24] =	ssyncset.done $0x0  }
0x99: {  	[sflag:s24] =	ssyncadd.s32 $0xFFFFC000  }
0x9a: {  	[hbm4b:s20+s3] =	stream.linear.scatter [tilespmem:s23], [sflag:$0x2], $0x4000, $0x38;
	[tilespmem:$0x18100] =	vst v63  }
0x9b: {  	_ =	swait.ge [sflag:s24], $0x4000  }
0x9c: {  	s30 =	sadd.s32 $0x1, s30;
	s31 =	rddreg [dreg:$0x3]  }
0x9d: {  	p0 =	sne.s32 s30, s31  }
.Ltmp1:
0x9e: {  	_ = 	snop;
	(pc) =	sbr.rel @p0 .LBB2_1-.Ltmp1, $3  }
0x9f: {  	_ =	sdelay $0x1  }
0xa0: {  	[sflag:s24] =	ssyncset.done $0x0  }
0xa1: {  	[sflag:s24] =	ssyncadd.s32 $0xFFFFC000  }
0xa2: {  	_ =	sfence.sel $0x180000  }
0xa3: {  	[bflag:$0x0] =	sbarrier.arrive $0xFFFF  }
0xa4: {  	_ =	strace $0x9000004D  }
0xa5: {  	s0 =	stileid.u32;
	[bflag:$0x2] =	sbarrier.arrive $0xFFFF  }
0xa6: {  	p0 =	sne.s32 s0, $0x0;
	s0 =	rddreg [dreg:$0x2]  }
0xa7: {  	s0 =	sadd.s32 @!p0 $0x100000, s0  }
0xa8: {  	[sflag:s0] =	ssyncadd.tile.s32 @!p0 $0x1;
	_ =	shalt  }
.Lfunc_end2:
_tile_overlayer_lowered:
.L_overlay_start_2:
0xa9: {  	(tag) =	ssettag $0x2  }
0xaa: {  	s0 =	rddreg [dreg:$0x0];
	s2 =	stileid.u32  }
0xab: {  	s1 =	rddreg [dreg:$0x1];
	p0 =	sne.s32 s2, $0x0  }
0xac: {  	s3 =	rddreg [dreg:$0x2];
	[bflag:$0x3] =	sbarrier.arrive $0xFFFF;
	s2 =	simm.s32 @!p0 $0x1C02  }
0xad: {  	[timem:s3], [sflag:s2] =	dma.local @!p0 [hbm:s0], s1  }
0xae: {  	s0 =	simm.s32 @!p0 $0x2  }
0xaf: {  	_ =	swait.ge @!p0 [sflag:s0], s1  }
0xb0: {  	s1 =	ssub.s32 @!p0 $0x0, s1;
	[sflag:s0] =	ssyncset.done @!p0 $0x0  }
0xb1: {  	[sflag:s0] =	ssyncadd.s32 @!p0 s1  }
0xb2: {  	[bflag:$0x3] =	sbarrier.arrive $0xFFFF  }
0xb3: {  	_ =	shalt  }

// kernel: kernel.19.cloned.1.call-start
scs
__scs_entry_jumppad:
0x0: {  	(pc) =	sbr.rel $0x88, $3  }
0x1: {  	(tag) =	ssettag $0x0;
	lr =	simm.s32 $0x1  }
0x2: {  	[smem:$0x3F8B] =	sst lr;
	_ =	strace $0xD0000000  }
0x3: {  	_ = 	snop  }
0x4: {  	_ = 	snop  }
0x5: {  	_ = 	snop  }
0x6: {  	_ = 	snop  }
0x7: {  	_ = 	snop  }
__scs_overlays_trampoline_lowered:
0x8: {  	[smem:$0x3F9A] =	sst s0  }
0x9: {  	[smem:$0x3F9B] =	sst s1  }
0xa: {  	[smem:$0x3F9C] =	sst s2  }
0xb: {  	[smem:$0x3F9D] =	sst s3  }
0xc: {  	[smem:$0x3F9E] =	sst s4  }
0xd: {  	[smem:$0x3F9F] =	sst s5  }
0xe: {  	[smem:$0x3FA0] =	sst s6  }
0xf: {  	[smem:$0x3FA1] =	sst s7  }
0x10: {  	[smem:$0x3FA2] =	sst s8  }
0x11: {  	[smem:$0x3FA3] =	sst s9;
	s0 =	simm.s32 @!p0 $0x0  }
0x12: {  	s1 =	sld [smem:$0x3F89];
	s0 =	simm.s32 @p0 $0x1  }
0x13: {  	[smem:$0x3FA4] =	sst s0;
	s0 =	simm.s32 @!p1 $0x0  }
0x14: {  	s2 =	sld [smem:$0x3F88];
	s0 =	simm.s32 @p1 $0x1  }
0x15: {  	[smem:$0x3FA5] =	sst s0;
	s0 =	simm.s32 @!p2 $0x0  }
0x16: {  	s3 =	sld [smem:$0x3FDB];
	s0 =	simm.s32 @p2 $0x1  }
0x17: {  	s4 =	simm.s32 $0x1BF5;
	[smem:$0x3FA7] =	sst s0  }
0x18: {  	s0 =	sld [smem:$0x3F8A];
	_ =	swait.ge [sflag:s4], $0x0  }
0x19: {  	s7 =	sld [smem:$0x3F8B]  }
0x1a: {  	s8 =	sadd.s32 $0xFFFFE003, lr  }
0x1b: {  	s9 =	sadd.s32 $0xFFFFFEF7, lr;
	s5 =	simm.s32 $0xFFFFFFFF;
	p2 =	slt.u32 s8, $0xFFFFF086  }
0x1c: {  	p1 =	slt.u32 s9, $0xF7A;
	s5 =	simm.s32 @!p2 $0x0  }
0x1d: {  	s5 =	simm.s32 @p1 $0x1;
	p0 =	seq.s32 s7, s2  }
0x1e: {  	s7 =	smul.u32 @!p0 $0xF7A, s2;
	p2 =	seq.s32 @!p0 s5, $0x0  }
0x1f: {  	s9 =	smul.u32 $0xF7A, s1;
	s8 =	simm.s32 @!p0 $0x1BF5;
	p2 =	por !p2, p0  }
0x20: {  	[sflag:s8] =	ssyncset.s32 @!p0 $0xFFFFF086;
	s6 =	sadd.s32 @!p0 s3, s7;
	s7 =	simm.s32 @!p0 $0x108  }
0x21: {  	s3 =	sadd.s32 s3, s9;
	s6 =	sadd.s32 @!p0 $0x88, s6;
	s7 =	simm.s32 @p2 $0x1082  }
0x22: {  	[simem:s7], [sflag:s8] =	dma.local @!p0 [hbm:s6], $0xF7A  }
0x23: {  	s9 =	sor.u32 $0xD0000000, s2;
	s6 =	simm.s32 $0x108;
	_ =	swait.ge @!p0 [sflag:s8], $0x0  }
0x24: {  	s3 =	sadd.s32 $0x88, s3;
	s6 =	simm.s32 @!p1 $0x1082;
	[sflag:s4] =	ssyncset.s32 $0xFFFFF086  }
0x25: {  	[simem:s6], [sflag:s4] =	dma.local [hbm:s3], $0xF7A  }
0x26: {  	[smem:$0x3F8B] =	sst s1;
	(tag) =	ssettag s2;
	_ =	strace s9  }
0x27: {  	s1 =	sld [smem:$0x3F9B]  }
0x28: {  	s2 =	sld [smem:$0x3F9C]  }
0x29: {  	s4 =	sld [smem:$0x3F9E]  }
0x2a: {  	p0 =	seq.s32 s5, $0x0;
	s5 =	sld [smem:$0x3F9F]  }
0x2b: {  	s6 =	sld [smem:$0x3FA0]  }
0x2c: {  	s7 =	sld [smem:$0x3FA1]  }
0x2d: {  	s3 =	simm.s32 $0x108;
	s8 =	sld [smem:$0x3FA2]  }
0x2e: {  	s3 =	simm.s32 @!p0 $0x1082;
	s9 =	sld [smem:$0x3FA3]  }
0x2f: {  	lr =	sadd.s32 s0, s3;
	s0 =	sld [smem:$0x3F9A]  }
0x30: {  	s3 =	sld [smem:$0x3F9D]  }
0x31: {  	[smem:$0x3FA6] =	sst s10  }
0x32: {  	s10 =	sld [smem:$0x3FA4];
	_ =	sdelay $0x3  }
0x33: {  	p0 =	seq.s32 s10, $0x1;
	s10 =	sld [smem:$0x3FA6];
	_ =	sdelay $0x3  }
0x34: {  	[smem:$0x3FA6] =	sst s10  }
0x35: {  	s10 =	sld [smem:$0x3FA5];
	_ =	sdelay $0x3  }
0x36: {  	p1 =	seq.s32 s10, $0x1;
	s10 =	sld [smem:$0x3FA6];
	_ =	sdelay $0x3  }
0x37: {  	[smem:$0x3FA6] =	sst s10  }
0x38: {  	s10 =	sld [smem:$0x3FA7]  }
0x39: {  	_ = 	snop;
	(pc) =	sbr.ind lr, $3  }
0x3a: {  	_ = 	snop  }
0x3b: {  	_ = 	snop  }
0x3c: {  	p2 =	seq.s32 s10, $0x1;
	s10 =	sld [smem:$0x3FA6]  }
0x3d: {  	_ =	shalt  }
0x3e: {  	_ =	shalt  }
0x3f: {  	_ =	shalt  }
0x40: {  	_ =	shalt  }
0x41: {  	_ =	shalt  }
0x42: {  	_ =	shalt  }
0x43: {  	_ =	shalt  }
0x44: {  	_ =	shalt  }
0x45: {  	_ =	shalt  }
0x46: {  	_ =	shalt  }
0x47: {  	_ =	shalt  }
0x48: {  	_ =	shalt  }
0x49: {  	_ =	shalt  }
0x4a: {  	_ =	shalt  }
0x4b: {  	_ =	shalt  }
0x4c: {  	_ =	shalt  }
0x4d: {  	_ =	shalt  }
0x4e: {  	_ =	shalt  }
0x4f: {  	_ =	shalt  }
0x50: {  	_ =	shalt  }
0x51: {  	_ =	shalt  }
0x52: {  	_ =	shalt  }
0x53: {  	_ =	shalt  }
0x54: {  	_ =	shalt  }
0x55: {  	_ =	shalt  }
0x56: {  	_ =	shalt  }
0x57: {  	_ =	shalt  }
0x58: {  	_ =	shalt  }
0x59: {  	_ =	shalt  }
0x5a: {  	_ =	shalt  }
0x5b: {  	_ =	shalt  }
0x5c: {  	_ =	shalt  }
0x5d: {  	_ =	shalt  }
0x5e: {  	_ =	shalt  }
0x5f: {  	_ =	shalt  }
0x60: {  	_ =	shalt  }
0x61: {  	_ =	shalt  }
0x62: {  	_ =	shalt  }
0x63: {  	_ =	shalt  }
0x64: {  	_ =	shalt  }
0x65: {  	_ =	shalt  }
0x66: {  	_ =	shalt  }
0x67: {  	_ =	shalt  }
0x68: {  	_ =	shalt  }
0x69: {  	_ =	shalt  }
0x6a: {  	_ =	shalt  }
0x6b: {  	_ =	shalt  }
0x6c: {  	_ =	shalt  }
0x6d: {  	_ =	shalt  }
0x6e: {  	_ =	shalt  }
0x6f: {  	_ =	shalt  }
0x70: {  	_ =	shalt  }
0x71: {  	_ =	shalt  }
0x72: {  	_ =	shalt  }
0x73: {  	_ =	shalt  }
0x74: {  	_ =	shalt  }
0x75: {  	_ =	shalt  }
0x76: {  	_ =	shalt  }
0x77: {  	_ =	shalt  }
0x78: {  	_ =	shalt  }
0x79: {  	_ =	shalt  }
0x7a: {  	_ =	shalt  }
0x7b: {  	_ =	shalt  }
0x7c: {  	_ =	shalt  }
0x7d: {  	_ =	shalt  }
0x7e: {  	_ =	shalt  }
0x7f: {  	_ =	shalt  }
0x80: {  	_ =	shalt  }
0x81: {  	_ =	shalt  }
0x82: {  	_ =	shalt  }
0x83: {  	_ =	shalt  }
0x84: {  	_ =	shalt  }
0x85: {  	_ =	shalt  }
0x86: {  	_ =	shalt  }
0x87: {  	_ =	shalt  }
.Lfunc_end0:
.L_simem_size_0:
called_computation.3_lowered:
.L_overlay_start_0:
0x88: {  	s2 =	sld [smem:$0x3FD9]  }
0x89: {  	s3 =	sld [smem:$0x3FFE];
	_ =	sdelay $0x1  }
0x8a: {  	s1 =	srdreg.scid  }
0x8b: {  	s0 =	sand.u32 $0x1, s1  }
0x8c: {  	s16 =	sshll.u32 s0, $0xA;
	s2 =	sadd.s32 s3, s2  }
0x8d: {  	s2 =	sadd.s32 s2, s16  }
0x8e: {  	[smem:$0x3FB2] =	sst s2  }
0x8f: {  	_ = 	snop  }
0x90: {  	(tm) =	ssettm $0x1  }
0x91: {  	s17 =	sld [smem:$0x3FFB];
	_ =	sdelay $0x3  }
0x92: {  	_ =	strace s17  }
0x93: {  	s2 =	sld [smem:$0x3FFC];
	_ =	sdelay $0x3  }
0x94: {  	_ =	strace s2  }
0x95: {  	s2 =	sld [smem:$0x3FFD];
	_ =	sdelay $0x3  }
0x96: {  	_ =	strace s2  }
0x97: {  	_ =	strace $0x8FFFFFFF  }
0x98: {  	s18 =	sld [smem:$0x3FDB];
	_ =	sdelay $0x1  }
0x99: {  	s19 =	simm.s32 $_scs_section_size  }
0x9a: {  	s4 =	simm.s32 $_size__tile_overlayer_lowered;
	s5 =	simm.s32 $_tile_overlayer_lowered  }
0x9b: {  	s22 =	simm.s32 $0x1BFF;
	s21 =	sshll.u32 s5, $0x1;
	s2 =	sadd.s32 s19, s18  }
0x9c: {  	s6 =	simm.s32 $0x0;
	s20 =	sshll.u32 s4, $0x1;
	s4 =	sadd.s32 s21, s2  }
0x9d: {  	[timem:s6], [sflag:s22] =	dma.local [hbm:s4], s20  }
0x9e: {  	_ =	swait.ge [sflag:s22], s20  }
0x9f: {  	s3 =	ssub.s32 $0x0, s20;
	[sflag:s22] =	ssyncset.done $0x0  }
0xa0: {  	[sflag:s22] =	ssyncadd.s32 s3;
	_ =	sdelay $0x1  }
0xa1: {  	s23 =	simm.s32 $0x1B8B  }
0xa2: {  	_ =	swait.ge [sflag:s23], $0x1  }
0xa3: {  	[sflag:s23] =	ssyncset.done $0x0  }
0xa4: {  	s25 =	simm.s32 $0x1B8E;
	s24 =	sld [smem:$0x3FFE];
	[sflag:s23] =	ssyncadd.s32 $0xFFFFFFFF  }
0xa5: {  	s26 =	simm.s32 $execute0_lowered;
	[smem:$0x3FD2] =	sst s25  }
0xa6: {  	s4 =	sshll.u32 s26, $0x1;
	_ =	strace $0x8000004F;
	[dreg:$0x1] =	wrdreg $0xFFFFFFFF  }
0xa7: {  	s28 =	simm.s32 $_size_execute0_lowered;
	s2 =	sadd.s32 s2, s4;
	[dreg:$0x0] =	wrdreg $0x0  }
0xa8: {  	s4 =	sshll.u32 s28, $0x1;
	[dreg:$0x2] =	wrdreg s2  }
0xa9: {  	[dreg:$0x3] =	wrdreg s4  }
0xaa: {  	[dreg:$0x4] =	wrdreg $0xC0  }
0xab: {  	_ =	task [dreg:s6], $0x5FFFF  }
0xac: {  	[dreg:$0x1] =	wrdreg $0xFFFFFFFF  }
0xad: {  	[dreg:$0x0] =	wrdreg $0x60  }
0xae: {  	[dreg:$0x2] =	wrdreg s24  }
0xaf: {  	[dreg:$0x3] =	wrdreg $0x0  }
0xb0: {  	[dreg:$0x4] =	wrdreg $0x9  }
0xb1: {  	_ =	task.clear_ibuf [dreg:s6], $0x5FFFF;
	_ =	strace $0x9000004F  }
0xb2: {  	s29 =	simm.s32 $0x9;
	_ =	strace $0x80000051  }
0xb3: {  	_ =	swait.ge [sflag:s29], $0x1  }
0xb4: {  	[sflag:s29] =	ssyncadd.s32 $0xFFFFFFFF  }
0xb5: {  	_ =	strace $0x90000051  }
0xb6: {  	_ =	sfence  }
0xb7: {  	s30 =	sld [smem:$0x0];
	_ =	sdelay $0x2  }
0xb8: {  	s31 =	sshll.u32 s1, $0xD;
	s1 =	sshrl.u32 s1, $0x2  }
0xb9: {  	s3 =	sand.u32 $0x4000, s31;
	s1 =	sadd.s32 s1, s30  }
0xba: {  	s0 =	sor.u32 s3, s0;
	s1 =	sshll.u32 s1, $0x11  }
0xbb: {  	s0 =	sor.u32 s1, s0  }
0xbc: {  	s0 =	sadd.s32 $0x8F2B, s0  }
0xbd: {  	[sflag:s0] =	ssyncadd.remote.s32 $0x1  }
0xbe: {  	_ =	sfence.sel $0xFFFF  }
0xbf: {  	[dreg:$0x0] =	wrdreg $0xFFFFFFFF;
	(pc) =	sbr.abs _section_cstart, $3  }
0xc0: {  	[dreg:$0x1] =	wrdreg $0xFFFFFFFF  }
0xc1: {  	_ =	task.clear_ibuf [dreg:s6], $0x2FFFF;
	_ =	strace $0x9FFFFFFF  }
0xc2: {  	(tm) =	ssettm $0x7FFFFFFF  }
0xc3: {  	_ =	shalt  }
tec
execute0_lowered:
.L_overlay_start_1:
0x0: {  	(tag) =	ssettag $0x1  }
0x1: {  	s0 =	rddreg [dreg:$0x0]  }
0x2: {  	s2 =	rddreg [dreg:$0x1];
	s1 =	stileid.u32  }
0x3: {  	s3 =	simm.s32 $0x0;
	s24 =	srdreg.scid;
	s5 =	smul.u32 $0x9E0, s1  }
0x4: {  	s28 =	simm.s32 $0x80;
	s29 =	simm.s32 $0x1;
	s25 =	smul.u32 $0x50000, s1  }
0x5: {  	s30 =	simm.s32 $0x0;
	[smem:$0x7FF] =	sst s3;
	s16 =	smul.u32 $0x280, s1  }
0x6: {  	s4 =	sadd.s32 $0x1FA00, s0;
	s18 =	sand.u32 $0x1, s24;
	s8 =	smul.u32 $0x2800, s1  }
0x7: {  	s14 =	sadd.s32 $0x47A00, s0;
	_ =	strace $0x80000050;
	s19 =	smul.u32 $0x2800, s18  }
0x8: {  	s6 =	ssub.s32 $0x2, s18;
	s24 =	smul.u32 $0x4F0, s18;
	s21 =	sadd.s32 s5, s0  }
0x9: {  	s0 =	sadd.s32 $0x6FA00, s0;
	s7 =	sshrl.u32 s6, $0x1;
	s5 =	sshrl.u32 s25, $0x2  }
0xa: {  	s31 =	sadd.s32 s14, s8;
	s17 =	sadd.s32 $0x80, s16;
	s20 =	sadd.s32 $0x100, s16  }
0xb: {  	s22 =	sadd.s32 $0x180, s16;
	s23 =	sadd.s32 $0x200, s16;
	s6 =	ssub.s32 s6, s7  }
0xc: {  	s5 =	sadd.s32 s5, s2;
	[dreg:$0x4] =	wrdreg s31;
	s9 =	sshll.u32 s17, $0x7  }
0xd: {  	s10 =	sshll.u32 s20, $0x4;
	s11 =	sshll.u32 s20, $0x7;
	s12 =	sshll.u32 s22, $0x4  }
0xe: {  	s13 =	sshll.u32 s22, $0x7;
	s15 =	sshll.u32 s23, $0x4;
	s7 =	sshll.u32 s23, $0x7  }
0xf: {  	s16 =	sadd.s32 s19, s16;
	s20 =	sadd.s32 s19, s20;
	s22 =	sadd.s32 s19, s22  }
0x10: {  	s31 =	sadd.s32 s24, s21;
	s24 =	simm.s32 $0x2;
	s26 =	smax.u32 s6, $0x1  }
0x11: {  	s6 =	sshll.u32 s17, $0x4;
	s9 =	sadd.s32 s9, s2;
	s10 =	sadd.s32 s14, s10  }
0x12: {  	s11 =	sadd.s32 s11, s2;
	s12 =	sadd.s32 s14, s12;
	s13 =	sadd.s32 s13, s2  }
0x13: {  	s17 =	sadd.s32 s19, s17;
	s16 =	sshll.u32 s16, $0x4;
	s20 =	sshll.u32 s20, $0x4  }
0x14: {  	s19 =	sadd.s32 s19, s23;
	s25 =	sshll.u32 s22, $0x4;
	s21 =	sadd.s32 $0x1E00, s31  }
0x15: {  	s22 =	sadd.s32 $0x15C00, s31;
	s23 =	simm.s32 $0x14100;
	[dreg:$0x3] =	wrdreg s26  }
0x16: {  	s8 =	sadd.s32 s14, s6;
	s14 =	sadd.s32 s14, s15;
	s15 =	sadd.s32 s7, s2  }
0x17: {  	s17 =	sshll.u32 s17, $0x4;
	s16 =	sadd.s32 s0, s16;
	s18 =	sadd.s32 s0, s20  }
0x18: {  	s26 =	sshll.u32 s19, $0x4;
	s19 =	sadd.s32 s0, s25;
	s25 =	simm.s32 $0x14000  }
0x19: {  	s17 =	sadd.s32 s0, s17;
	s20 =	sadd.s32 s0, s26;
	s26 =	simm.s32 $0x14080  }
.LBB2_1:
0x1a: {  	s0 =	rddreg [dreg:$0x4]  }
0x1b: {  	[tilespmem:s23], [sflag:$0x2] =	stream.linear.gather [hbm4b:s0+s3], $0x4000, $0x38;
	[tilespmem:$0x18100] =	vst v63  }
0x1c: {  	_ =	swait.ge [sflag:s24], $0x4000  }
0x1d: {  	[sflag:s24] =	ssyncset.done $0x0  }
0x1e: {  	[sflag:s24] =	ssyncadd.s32 $0xFFFFC000  }
0x1f: {  	[spmem:s5] =	stream.linear.scatter [tilespmem:s23], [sflag:$0x2], $0x4000, $0x38;
	[tilespmem:$0x18100] =	vst v63  }
0x20: {  	_ =	swait.ge [sflag:s24], $0x4000  }
0x21: {  	[sflag:s24] =	ssyncset.done $0x0  }
0x22: {  	[sflag:s24] =	ssyncadd.s32 $0xFFFFC000  }
0x23: {  	[tilespmem:s23], [sflag:$0x2] =	stream.linear.gather [hbm4b:s8+s3], $0x4000, $0x38;
	[tilespmem:$0x18100] =	vst v63  }
0x24: {  	_ =	swait.ge [sflag:s24], $0x4000  }
0x25: {  	[sflag:s24] =	ssyncset.done $0x0  }
0x26: {  	[sflag:s24] =	ssyncadd.s32 $0xFFFFC000  }
0x27: {  	[spmem:s9] =	stream.linear.scatter [tilespmem:s23], [sflag:$0x2], $0x4000, $0x38;
	[tilespmem:$0x18100] =	vst v63  }
0x28: {  	_ =	swait.ge [sflag:s24], $0x4000  }
0x29: {  	[sflag:s24] =	ssyncset.done $0x0  }
0x2a: {  	[sflag:s24] =	ssyncadd.s32 $0xFFFFC000  }
0x2b: {  	[tilespmem:s23], [sflag:$0x2] =	stream.linear.gather [hbm4b:s10+s3], $0x4000, $0x38;
	[tilespmem:$0x18100] =	vst v63  }
0x2c: {  	_ =	swait.ge [sflag:s24], $0x4000  }
0x2d: {  	[sflag:s24] =	ssyncset.done $0x0  }
0x2e: {  	[sflag:s24] =	ssyncadd.s32 $0xFFFFC000  }
0x2f: {  	[spmem:s11] =	stream.linear.scatter [tilespmem:s23], [sflag:$0x2], $0x4000, $0x38;
	[tilespmem:$0x18100] =	vst v63  }
0x30: {  	_ =	swait.ge [sflag:s24], $0x4000  }
0x31: {  	[sflag:s24] =	ssyncset.done $0x0  }
0x32: {  	[sflag:s24] =	ssyncadd.s32 $0xFFFFC000  }
0x33: {  	[tilespmem:s23], [sflag:$0x2] =	stream.linear.gather [hbm4b:s12+s3], $0x4000, $0x38;
	[tilespmem:$0x18100] =	vst v63  }
0x34: {  	_ =	swait.ge [sflag:s24], $0x4000  }
0x35: {  	[sflag:s24] =	ssyncset.done $0x0  }
0x36: {  	[sflag:s24] =	ssyncadd.s32 $0xFFFFC000  }
0x37: {  	[spmem:s13] =	stream.linear.scatter [tilespmem:s23], [sflag:$0x2], $0x4000, $0x38;
	[tilespmem:$0x18100] =	vst v63  }
0x38: {  	_ =	swait.ge [sflag:s24], $0x4000  }
0x39: {  	[sflag:s24] =	ssyncset.done $0x0  }
0x3a: {  	[sflag:s24] =	ssyncadd.s32 $0xFFFFC000  }
0x3b: {  	[tilespmem:s23], [sflag:$0x2] =	stream.linear.gather [hbm4b:s14+s3], $0x4000, $0x38;
	[tilespmem:$0x18100] =	vst v63  }
0x3c: {  	_ =	swait.ge [sflag:s24], $0x4000  }
0x3d: {  	[sflag:s24] =	ssyncset.done $0x0  }
0x3e: {  	[sflag:s24] =	ssyncadd.s32 $0xFFFFC000  }
0x3f: {  	[spmem:s15] =	stream.linear.scatter [tilespmem:s23], [sflag:$0x2], $0x4000, $0x38;
	[tilespmem:$0x18100] =	vst v63  }
0x40: {  	_ =	swait.ge [sflag:s24], $0x4000  }
0x41: {  	[sflag:s24] =	ssyncset.done $0x0  }
0x42: {  	[sflag:s24] =	ssyncadd.s32 $0xFFFFC000  }
0x43: {  	s6 =	sadd.s32 $0x0, s22;
	[bflag:$0x0] =	sbarrier.arrive $0xFFFF  }
0x44: {  	[tilespmem:s25], [sflag:$0x2] =	stream.linear.gather [hbm4b:s6+s3], $0x80, $0x38;
	[tilespmem:$0x18100] =	vst v63  }
0x45: {  	_ =	swait.ge [sflag:s24], $0x80  }
0x46: {  	[sflag:s24] =	ssyncset.done $0x0  }
0x47: {  	s7 =	sadd.s32 $0x0, s21;
	[sflag:s24] =	ssyncadd.s32 $0xFFFFFF80  }
0x48: {  	[tilespmem:s26], [sflag:$0x2] =	stream.linear.gather [hbm4b:s7+s3], $0x80, $0x38;
	[tilespmem:$0x18100] =	vst v63  }
0x49: {  	_ =	swait.ge [sflag:s24], $0x80  }
0x4a: {  	[sflag:s24] =	ssyncset.done $0x0  }
0x4b: {  	[sflag:s24] =	ssyncadd.s32 $0xFFFFFF80  }
0x4c: {  	[tilespmem:s23], [sflag:$0x1] =	stream.indirect.gather [hbm4b:s4+s28], $0x80, s25, s28, $0xb8;
	[tilespmem:$0x18100] =	vst v63  }
0x4d: {  	_ =	swait.ge [sflag:s29], $0x4000  }
0x4e: {  	[sflag:s29] =	ssyncset.done $0x0  }
0x4f: {  	[sflag:s29] =	ssyncadd.s32 $0xFFFFC000  }
0x50: {  	[spmem:s2] =	stream.indirect.scatter.add.f32 [tilespmem:s23], [sflag:$0x2], $0x80, s26, s28, $0xb8;
	[tilespmem:$0x18100] =	vst v63  }
0x51: {  	_ =	swait.ge [sflag:s24], $0x4000  }
0x52: {  	s31 =	simm.s32 $0x10;
	s0 =	simm.s32 $0x20;
	[sflag:s24] =	ssyncset.done $0x0  }
.LBB2_2:
0x53: {  	s1 =	sadd.s32 s31, s22  }
0x54: {  	[sflag:s24] =	ssyncadd.s32 $0xFFFFC000;
	s6 =	smov.u32 s0;
	s7 =	sadd.s32 $0x10, s0  }
0x55: {  	[tilespmem:s25], [sflag:$0x2] =	stream.linear.gather [hbm4b:s1+s3], $0x80, $0x38;
	[tilespmem:$0x18100] =	vst v63  }
0x56: {  	p0 =	sne.s32 s0, $0x4E0;
	_ =	swait.ge [sflag:s24], $0x80  }
0x57: {  	[sflag:s24] =	ssyncset.done $0x0  }
0x58: {  	s0 =	sadd.s32 s31, s21;
	s31 =	smov.u32 s6;
	[sflag:s24] =	ssyncadd.s32 $0xFFFFFF80  }
0x59: {  	[tilespmem:s26], [sflag:$0x2] =	stream.linear.gather [hbm4b:s0+s3], $0x80, $0x38;
	[tilespmem:$0x18100] =	vst v63  }
0x5a: {  	_ =	swait.ge [sflag:s24], $0x80  }
0x5b: {  	[sflag:s24] =	ssyncset.done $0x0  }
0x5c: {  	[sflag:s24] =	ssyncadd.s32 $0xFFFFFF80  }
0x5d: {  	[tilespmem:s23], [sflag:$0x1] =	stream.indirect.gather [hbm4b:s4+s28], $0x80, s25, s28, $0xb8;
	[tilespmem:$0x18100] =	vst v63  }
0x5e: {  	_ =	swait.ge [sflag:s29], $0x4000  }
.Ltmp0:
0x5f: {  	[sflag:s29] =	ssyncset.done $0x0;
	(pc) =	sbr.rel @p0 .LBB2_2-.Ltmp0, $4  }
0x60: {  	[sflag:s29] =	ssyncadd.s32 $0xFFFFC000  }
0x61: {  	[spmem:s2] =	stream.indirect.scatter.add.f32 [tilespmem:s23], [sflag:$0x2], $0x80, s26, s28, $0xb8;
	[tilespmem:$0x18100] =	vst v63  }
0x62: {  	_ =	swait.ge [sflag:s24], $0x4000  }
0x63: {  	s0 =	smov.u32 s7;
	[sflag:s24] =	ssyncset.done $0x0  }
0x64: {  	s0 =	sadd.s32 s31, s22;
	[sflag:s24] =	ssyncadd.s32 $0xFFFFC000  }
0x65: {  	[tilespmem:s25], [sflag:$0x2] =	stream.linear.gather [hbm4b:s0+s3], $0x80, $0x38;
	[tilespmem:$0x18100] =	vst v63  }
0x66: {  	_ =	swait.ge [sflag:s24], $0x80  }
0x67: {  	[sflag:s24] =	ssyncset.done $0x0  }
0x68: {  	s7 =	sadd.s32 s31, s21;
	[sflag:s24] =	ssyncadd.s32 $0xFFFFFF80  }
0x69: {  	[tilespmem:s26], [sflag:$0x2] =	stream.linear.gather [hbm4b:s7+s3], $0x80, $0x38;
	[tilespmem:$0x18100] =	vst v63  }
0x6a: {  	_ =	swait.ge [sflag:s24], $0x80  }
0x6b: {  	[sflag:s24] =	ssyncset.done $0x0  }
0x6c: {  	[sflag:s24] =	ssyncadd.s32 $0xFFFFFF80  }
0x6d: {  	[tilespmem:s23], [sflag:$0x1] =	stream.indirect.gather [hbm4b:s4+s28], $0x80, s25, s28, $0xb8;
	[tilespmem:$0x18100] =	vst v63  }
0x6e: {  	_ =	swait.ge [sflag:s29], $0x4000  }
0x6f: {  	[sflag:s29] =	ssyncset.done $0x0  }
0x70: {  	[sflag:s29] =	ssyncadd.s32 $0xFFFFC000  }
0x71: {  	[spmem:s2] =	stream.indirect.scatter.add.f32 [tilespmem:s23], [sflag:$0x2], $0x80, s26, s28, $0xb8;
	[tilespmem:$0x18100] =	vst v63  }
0x72: {  	_ =	swait.ge [sflag:s24], $0x4000  }
0x73: {  	[sflag:s24] =	ssyncset.done $0x0  }
0x74: {  	[sflag:s24] =	ssyncadd.s32 $0xFFFFC000  }
0x75: {  	[bflag:$0x0] =	sbarrier.arrive $0xFFFF  }
0x76: {  	[tilespmem:s23], [sflag:$0x2] =	stream.linear.gather [spmem:s5], $0x4000, $0x38;
	[tilespmem:$0x18100] =	vst v63  }
0x77: {  	_ =	swait.ge [sflag:s24], $0x4000  }
0x78: {  	[sflag:s24] =	ssyncset.done $0x0  }
0x79: {  	[sflag:s24] =	ssyncadd.s32 $0xFFFFC000  }
0x7a: {  	[hbm4b:s16+s3] =	stream.linear.scatter [tilespmem:s23], [sflag:$0x2], $0x4000, $0x38;
	[tilespmem:$0x18100] =	vst v63  }
0x7b: {  	_ =	swait.ge [sflag:s24], $0x4000  }
0x7c: {  	[sflag:s24] =	ssyncset.done $0x0  }
0x7d: {  	[sflag:s24] =	ssyncadd.s32 $0xFFFFC000  }
0x7e: {  	[tilespmem:s23], [sflag:$0x2] =	stream.linear.gather [spmem:s9], $0x4000, $0x38;
	[tilespmem:$0x18100] =	vst v63  }
0x7f: {  	_ =	swait.ge [sflag:s24], $0x4000  }
0x80: {  	[sflag:s24] =	ssyncset.done $0x0  }
0x81: {  	[sflag:s24] =	ssyncadd.s32 $0xFFFFC000  }
0x82: {  	[hbm4b:s17+s3] =	stream.linear.scatter [tilespmem:s23], [sflag:$0x2], $0x4000, $0x38;
	[tilespmem:$0x18100] =	vst v63  }
0x83: {  	_ =	swait.ge [sflag:s24], $0x4000  }
0x84: {  	[sflag:s24] =	ssyncset.done $0x0  }
0x85: {  	[sflag:s24] =	ssyncadd.s32 $0xFFFFC000  }
0x86: {  	[tilespmem:s23], [sflag:$0x2] =	stream.linear.gather [spmem:s11], $0x4000, $0x38;
	[tilespmem:$0x18100] =	vst v63  }
0x87: {  	_ =	swait.ge [sflag:s24], $0x4000  }
0x88: {  	[sflag:s24] =	ssyncset.done $0x0  }
0x89: {  	[sflag:s24] =	ssyncadd.s32 $0xFFFFC000  }
0x8a: {  	[hbm4b:s18+s3] =	stream.linear.scatter [tilespmem:s23], [sflag:$0x2], $0x4000, $0x38;
	[tilespmem:$0x18100] =	vst v63  }
0x8b: {  	_ =	swait.ge [sflag:s24], $0x4000  }
0x8c: {  	[sflag:s24] =	ssyncset.done $0x0  }
0x8d: {  	[sflag:s24] =	ssyncadd.s32 $0xFFFFC000  }
0x8e: {  	[tilespmem:s23], [sflag:$0x2] =	stream.linear.gather [spmem:s13], $0x4000, $0x38;
	[tilespmem:$0x18100] =	vst v63  }
0x8f: {  	_ =	swait.ge [sflag:s24], $0x4000  }
0x90: {  	[sflag:s24] =	ssyncset.done $0x0  }
0x91: {  	[sflag:s24] =	ssyncadd.s32 $0xFFFFC000  }
0x92: {  	[hbm4b:s19+s3] =	stream.linear.scatter [tilespmem:s23], [sflag:$0x2], $0x4000, $0x38;
	[tilespmem:$0x18100] =	vst v63  }
0x93: {  	_ =	swait.ge [sflag:s24], $0x4000  }
0x94: {  	[sflag:s24] =	ssyncset.done $0x0  }
0x95: {  	[sflag:s24] =	ssyncadd.s32 $0xFFFFC000  }
0x96: {  	[tilespmem:s23], [sflag:$0x2] =	stream.linear.gather [spmem:s15], $0x4000, $0x38;
	[tilespmem:$0x18100] =	vst v63  }
0x97: {  	_ =	swait.ge [sflag:s24], $0x4000  }
0x98: {  	[sflag:s24] =	ssyncset.done $0x0  }
0x99: {  	[sflag:s24] =	ssyncadd.s32 $0xFFFFC000  }
0x9a: {  	[hbm4b:s20+s3] =	stream.linear.scatter [tilespmem:s23], [sflag:$0x2], $0x4000, $0x38;
	[tilespmem:$0x18100] =	vst v63  }
0x9b: {  	_ =	swait.ge [sflag:s24], $0x4000  }
0x9c: {  	s30 =	sadd.s32 $0x1, s30;
	s31 =	rddreg [dreg:$0x3]  }
0x9d: {  	p0 =	sne.s32 s30, s31  }
.Ltmp1:
0x9e: {  	_ = 	snop;
	(pc) =	sbr.rel @p0 .LBB2_1-.Ltmp1, $3  }
0x9f: {  	_ =	sdelay $0x1  }
0xa0: {  	[sflag:s24] =	ssyncset.done $0x0  }
0xa1: {  	[sflag:s24] =	ssyncadd.s32 $0xFFFFC000  }
0xa2: {  	_ =	sfence.sel $0x180000  }
0xa3: {  	[bflag:$0x0] =	sbarrier.arrive $0xFFFF  }
0xa4: {  	_ =	strace $0x90000050  }
0xa5: {  	s0 =	stileid.u32;
	[bflag:$0x2] =	sbarrier.arrive $0xFFFF  }
0xa6: {  	p0 =	sne.s32 s0, $0x0;
	s0 =	rddreg [dreg:$0x2]  }
0xa7: {  	s0 =	sadd.s32 @!p0 $0x100000, s0  }
0xa8: {  	[sflag:s0] =	ssyncadd.tile.s32 @!p0 $0x1;
	_ =	shalt  }
.Lfunc_end2:
_tile_overlayer_lowered:
.L_overlay_start_2:
0xa9: {  	(tag) =	ssettag $0x2  }
0xaa: {  	s0 =	rddreg [dreg:$0x0];
	s2 =	stileid.u32  }
0xab: {  	s1 =	rddreg [dreg:$0x1];
	p0 =	sne.s32 s2, $0x0  }
0xac: {  	s3 =	rddreg [dreg:$0x2];
	[bflag:$0x3] =	sbarrier.arrive $0xFFFF;
	s2 =	simm.s32 @!p0 $0x1C02  }
0xad: {  	[timem:s3], [sflag:s2] =	dma.local @!p0 [hbm:s0], s1  }
0xae: {  	s0 =	simm.s32 @!p0 $0x2  }
0xaf: {  	_ =	swait.ge @!p0 [sflag:s0], s1  }
0xb0: {  	s1 =	ssub.s32 @!p0 $0x0, s1;
	[sflag:s0] =	ssyncset.done @!p0 $0x0  }
0xb1: {  	[sflag:s0] =	ssyncadd.s32 @!p0 s1  }
0xb2: {  	[bflag:$0x3] =	sbarrier.arrive $0xFFFF  }
0xb3: {  	_ =	shalt  }

</sc_bundles>
